<compile_context>
chip_gen: v7x
topology: tpu7x:2x2x1
jax: 0.10.2.dev20260603
libtpu: 0.0.44.dev20260713+nightly
codegen_flags: <defaults>
</compile_context>

<pallas_src>
import jax
import jax.numpy as jnp
from jax import lax
from jax.experimental import pallas as pl
from jax.experimental.pallas import tpu as pltpu
from jax.experimental.pallas import tpu_sc as plsc

_S = 64.0
_M = 0.4

_NC = 2
_NS = 16
_NW = _NC * _NS
_CHR = 16
_NBUF = 3
_ROWS_SC = 99840
_CPW = 195
_RPW = _CHR * _CPW


def _sc_scale_t(lt, labels_i32):
    c, b = lt.shape

    def body(lt_ref, lab_ref, out_ref, lab_v, *scr):
        cid = lax.axis_index("c")
        sid = lax.axis_index("s")
        wid = sid * _NC + cid
        base_row = wid * _RPW
        pltpu.sync_copy(lab_ref, lab_v)

        ins = scr[0:_NBUF]
        outs = scr[_NBUF:2 * _NBUF]
        lsems = scr[2 * _NBUF:3 * _NBUF]
        ssems = scr[3 * _NBUF:4 * _NBUF]

        def src_slice(t):
            r0 = pl.multiple_of(base_row + t * _CHR, 8)
            return lt_ref.at[pl.ds(r0, _CHR), :]

        def dst_slice(t):
            r0 = pl.multiple_of(base_row + t * _CHR, 8)
            return out_ref.at[pl.ds(r0, _CHR), :]

        for bb in range(_NBUF):
            pltpu.async_copy(src_slice(bb), ins[bb], lsems[bb])

        def group(g, carry):
            for bb in range(_NBUF):
                t = g * _NBUF + bb
                ib, ob, ls, ss = ins[bb], outs[bb], lsems[bb], ssems[bb]
                pltpu.make_async_copy(src_slice(t), ib, ls).wait()

                @pl.when(t >= _NBUF)
                def _(ob=ob, ss=ss, t=t):
                    pltpu.make_async_copy(ob, dst_slice(t - _NBUF), ss).wait()

                row0 = base_row + t * _CHR
                splats = [
                    jnp.full((16,), row0 + r, jnp.int32) for r in range(_CHR)
                ]

                def colslice(j, c2, ib=ib, ob=ob, splats=splats):
                    sl = pl.ds(j * 16, 16)
                    labv = lab_v[sl]
                    for r in range(_CHR):
                        m = labv == splats[r]
                        ob[r, sl] = (ib[r, sl] - jnp.where(m, _M, 0.0)) * _S
                    return c2

                lax.fori_loop(0, b // 16, colslice, 0)

                pltpu.async_copy(ob, dst_slice(t), ss)

                @pl.when(t + _NBUF < _CPW)
                def _(ib=ib, ls=ls, t=t):
                    pltpu.async_copy(src_slice(t + _NBUF), ib, ls)

            return carry

        lax.fori_loop(0, _CPW // _NBUF, group, 0)
        for bb in range(_NBUF):
            pltpu.make_async_copy(
                outs[bb], dst_slice(_CPW - _NBUF + bb), ssems[bb]).wait()

    mesh = plsc.VectorSubcoreMesh(
        core_axis_name="c", subcore_axis_name="s",
        num_cores=_NC, num_subcores=_NS,
    )
    fn = pl.kernel(
        body,
        out_type=jax.ShapeDtypeStruct((c, b), jnp.float32),
        mesh=mesh,
        scratch_types=(
            [pltpu.VMEM((b,), jnp.int32)]
            + [pltpu.VMEM((_CHR, b), jnp.float32)] * (2 * _NBUF)
            + [pltpu.SemaphoreType.DMA] * (2 * _NBUF)
        ),
    )
    return fn(lt, labels_i32)


def _tail_body(alias_ref, labels_ref, x_ref, o_ref):
    del alias_ref
    br, b = x_ref.shape
    rows = _ROWS_SC + jax.lax.broadcasted_iota(jnp.int32, (br, b), 0)
    lab = labels_ref[...]
    x = x_ref[...]
    o_ref[...] = (x - jnp.where(rows == lab, _M, 0.0)) * _S


def _tc_tail_t(sc_out, lt, labels_row):
    c, b = lt.shape
    tail = c - _ROWS_SC
    jblk = _ROWS_SC // tail
    return pl.pallas_call(
        _tail_body,
        grid=(1,),
        in_specs=[
            pl.BlockSpec(memory_space=pltpu.HBM),
            pl.BlockSpec((1, b), lambda i: (0, 0)),
            pl.BlockSpec((tail, b), lambda i: (jblk, 0)),
        ],
        out_specs=pl.BlockSpec((tail, b), lambda i: (jblk, 0)),
        out_shape=jax.ShapeDtypeStruct((c, b), jnp.float32),
        input_output_aliases={0: 0},
    )(sc_out, labels_row, lt)


def kernel(logits, norms, labels):
    del norms
    b, c = logits.shape
    lt = logits.T
    labels_i32 = labels.astype(jnp.int32)
    sc_out = _sc_scale_t(lt, labels_i32)
    out_t = _tc_tail_t(sc_out, lt, labels_i32.reshape(1, b))
    return out_t.T

# --- scband reference (transcript-rebuilt; emitter-appended) ---
"""Pipeline reference for scband-cos-face-43542378447383 (READ-ONLY COPY).

The authoritative reference and input builder live on the scoring server;
editing this copy changes nothing except your own understanding.
"""

import jax, jax.numpy as jnp
import numpy as np

S = 64.0
M = 0.4
B = 1024
C = 100000

def setup_inputs(seed: int = 0) -> dict:
    key = jax.random.key(seed)
    k1, k2, k3 = jax.random.split(key, 3)
    logits = jax.random.normal(k1, (B, C), dtype=jnp.float32)
    norms = jax.random.uniform(k2, (B, 1), dtype=jnp.float32)
    labels = jax.random.randint(k3, (B,), 0, C, dtype=jnp.int64)
    return {"logits": logits, "norms": norms, "labels": labels}

def reference(logits, norms, labels):
    # index = where(labels != -1); subtract margin m from the target-class logit
    mask = labels != -1
    safe_labels = jnp.where(mask, labels, 0)
    rows = jnp.arange(logits.shape[0])
    target_logit = logits[rows, safe_labels]
    final_target_logit = target_logit - M
    updates = jnp.where(mask, final_target_logit, target_logit)
    logits = logits.at[rows, safe_labels].set(updates)
    logits = logits * S
    return logits

if __name__ == "__main__":
    import jax
    _d = setup_inputs()
    print(jax.jit(kernel)(*tuple(_d.values())))

</pallas_src>

<mosaic_0001>
#map = affine_map<(d0, d1) -> (0, 0)>
#map1 = affine_map<(d0, d1) -> (0)>
module attributes {stable_mosaic.version = 14 : i64} {
  func.func @body(%arg0: i32, %arg1: i32, %arg2: memref<100000x1024xf32, #tpu.memory_space<hbm>>, %arg3: memref<1024xi32, #tpu.memory_space<hbm>>, %arg4: memref<100000x1024xf32, #tpu.memory_space<hbm>>, %arg5: memref<1024xi32, #tpu.memory_space<vmem>>, %arg6: memref<16x1024xf32, #tpu.memory_space<vmem>>, %arg7: memref<16x1024xf32, #tpu.memory_space<vmem>>, %arg8: memref<16x1024xf32, #tpu.memory_space<vmem>>, %arg9: memref<16x1024xf32, #tpu.memory_space<vmem>>, %arg10: memref<16x1024xf32, #tpu.memory_space<vmem>>, %arg11: memref<16x1024xf32, #tpu.memory_space<vmem>>, %arg12: memref<!tpu.dma_semaphore, #tpu.memory_space<semaphore_mem>>, %arg13: memref<!tpu.dma_semaphore, #tpu.memory_space<semaphore_mem>>, %arg14: memref<!tpu.dma_semaphore, #tpu.memory_space<semaphore_mem>>, %arg15: memref<!tpu.dma_semaphore, #tpu.memory_space<semaphore_mem>>, %arg16: memref<!tpu.dma_semaphore, #tpu.memory_space<semaphore_mem>>, %arg17: memref<!tpu.dma_semaphore, #tpu.memory_space<semaphore_mem>>) attributes {dimension_semantics = [#tpu.dimension_semantics<core_parallel>, #tpu.dimension_semantics<subcore_parallel>], iteration_bounds = array<i64: 2, 16>, scalar_prefetch = 0 : i64, scratch_operands = 13 : i64, tpu.core_type = #tpu.core_type<sc_vector_subcore>, window_params = [{transform_indices = #map}, {transform_indices = #map1}, {transform_indices = #map}]} {
    %mul3A = arith.constant 2 : i32
    %mul3A_0 = arith.muli %arg1, %mul3A : i32
    %add3A = arith.addi %mul3A_0, %arg0 : i32
    %mul3A_1 = arith.constant 3120 : i32
    %mul3A_2 = arith.muli %add3A, %mul3A_1 : i32
    "tpu.region"() ({
      %run_scoped3A = tpu.sem_alloc : memref<!tpu.dma_semaphore, #tpu.memory_space<semaphore_mem>>
      tpu.enqueue_dma source(%arg3 : memref<1024xi32, #tpu.memory_space<hbm>>) target(%arg5 : memref<1024xi32, #tpu.memory_space<vmem>>) target_semaphore(%run_scoped3A : memref<!tpu.dma_semaphore, #tpu.memory_space<semaphore_mem>>)
      tpu.wait_dma2 semaphore(%run_scoped3A : memref<!tpu.dma_semaphore, #tpu.memory_space<semaphore_mem>>) src(%arg3 : memref<1024xi32, #tpu.memory_space<hbm>>) dst(%arg5 : memref<1024xi32, #tpu.memory_space<vmem>>)
      tpu.yield
    }) : () -> ()
    %add3A_3 = arith.constant 0 : i32
    %add3A_4 = arith.addi %mul3A_2, %add3A_3 : i32
    %multiple_of3A = tpu.assume_multiple %add3A_4, 8 : i32
    %dma_start3A = arith.constant 0 : i32
    %dma_start3A_5 = tpu.memref_slice %arg2[%multiple_of3A, %dma_start3A] : memref<100000x1024xf32, #tpu.memory_space<hbm>> -> memref<16x1024xf32, #tpu.memory_space<hbm>>
    %dma_start3A_6 = arith.constant 0 : i32
    %dma_start3A_7 = tpu.memref_slice %arg2[%multiple_of3A, %dma_start3A_6] : memref<100000x1024xf32, #tpu.memory_space<hbm>> -> memref<16x1024xf32, #tpu.memory_space<hbm>>
    tpu.enqueue_dma source(%dma_start3A_7 : memref<16x1024xf32, #tpu.memory_space<hbm>>) target(%arg6 : memref<16x1024xf32, #tpu.memory_space<vmem>>) target_semaphore(%arg12 : memref<!tpu.dma_semaphore, #tpu.memory_space<semaphore_mem>>)
    %add3A_8 = arith.constant 16 : i32
    %add3A_9 = arith.addi %mul3A_2, %add3A_8 : i32
    %multiple_of3A_10 = tpu.assume_multiple %add3A_9, 8 : i32
    %dma_start3A_11 = arith.constant 0 : i32
    %dma_start3A_12 = tpu.memref_slice %arg2[%multiple_of3A_10, %dma_start3A_11] : memref<100000x1024xf32, #tpu.memory_space<hbm>> -> memref<16x1024xf32, #tpu.memory_space<hbm>>
    %dma_start3A_13 = arith.constant 0 : i32
    %dma_start3A_14 = tpu.memref_slice %arg2[%multiple_of3A_10, %dma_start3A_13] : memref<100000x1024xf32, #tpu.memory_space<hbm>> -> memref<16x1024xf32, #tpu.memory_space<hbm>>
    tpu.enqueue_dma source(%dma_start3A_14 : memref<16x1024xf32, #tpu.memory_space<hbm>>) target(%arg7 : memref<16x1024xf32, #tpu.memory_space<vmem>>) target_semaphore(%arg13 : memref<!tpu.dma_semaphore, #tpu.memory_space<semaphore_mem>>)
    %add3A_15 = arith.constant 32 : i32
    %add3A_16 = arith.addi %mul3A_2, %add3A_15 : i32
    %multiple_of3A_17 = tpu.assume_multiple %add3A_16, 8 : i32
    %dma_start3A_18 = arith.constant 0 : i32
    %dma_start3A_19 = tpu.memref_slice %arg2[%multiple_of3A_17, %dma_start3A_18] : memref<100000x1024xf32, #tpu.memory_space<hbm>> -> memref<16x1024xf32, #tpu.memory_space<hbm>>
    %dma_start3A_20 = arith.constant 0 : i32
    %dma_start3A_21 = tpu.memref_slice %arg2[%multiple_of3A_17, %dma_start3A_20] : memref<100000x1024xf32, #tpu.memory_space<hbm>> -> memref<16x1024xf32, #tpu.memory_space<hbm>>
    tpu.enqueue_dma source(%dma_start3A_21 : memref<16x1024xf32, #tpu.memory_space<hbm>>) target(%arg8 : memref<16x1024xf32, #tpu.memory_space<vmem>>) target_semaphore(%arg14 : memref<!tpu.dma_semaphore, #tpu.memory_space<semaphore_mem>>)
    %scan3A = arith.constant 0 : i32
    %scan3A_22 = arith.constant 0 : i32
    %scan3A_23 = arith.constant 65 : i32
    %scan3A_24 = arith.addi %scan3A_22, %scan3A_23 : i32
    %scan3A_25 = arith.constant 1 : i32
    scf.for %scan3A_47 = %scan3A_22 to %scan3A_24 step %scan3A_25  : i32 {
      %mul3A_48 = arith.constant 3 : i32
      %mul3A_49 = arith.muli %scan3A_47, %mul3A_48 : i32
      %add3A_50 = arith.constant 0 : i32
      %add3A_51 = arith.addi %mul3A_49, %add3A_50 : i32
      %mul3A_52 = arith.constant 16 : i32
      %mul3A_53 = arith.muli %add3A_51, %mul3A_52 : i32
      %add3A_54 = arith.addi %mul3A_2, %mul3A_53 : i32
      %multiple_of3A_55 = tpu.assume_multiple %add3A_54, 8 : i32
      %dma_wait3A_56 = arith.constant 0 : i32
      %dma_wait3A_57 = tpu.memref_slice %arg2[%multiple_of3A_55, %dma_wait3A_56] : memref<100000x1024xf32, #tpu.memory_space<hbm>> -> memref<16x1024xf32, #tpu.memory_space<hbm>>
      %dma_wait3A_58 = arith.constant 0 : i32
      %dma_wait3A_59 = tpu.memref_slice %arg2[%multiple_of3A_55, %dma_wait3A_58] : memref<100000x1024xf32, #tpu.memory_space<hbm>> -> memref<16x1024xf32, #tpu.memory_space<hbm>>
      tpu.wait_dma2 semaphore(%arg12 : memref<!tpu.dma_semaphore, #tpu.memory_space<semaphore_mem>>) src(%dma_wait3A_59 : memref<16x1024xf32, #tpu.memory_space<hbm>>) dst(%arg6 : memref<16x1024xf32, #tpu.memory_space<vmem>>)
      %ge3A = arith.constant 3 : i32
      %ge3A_60 = arith.cmpi sge, %add3A_51, %ge3A : i32
      %convert_element_type3A = arith.extui %ge3A_60 : i1 to i32
      %cond3A = arith.constant 0 : i32
      %cond3A_61 = arith.cmpi ne, %convert_element_type3A, %cond3A : i32
      scf.if %cond3A_61 {
        %sub3A = arith.constant 3 : i32
        %sub3A_310 = arith.subi %add3A_51, %sub3A : i32
        %mul3A_311 = arith.constant 16 : i32
        %mul3A_312 = arith.muli %sub3A_310, %mul3A_311 : i32
        %add3A_313 = arith.addi %mul3A_2, %mul3A_312 : i32
        %multiple_of3A_314 = tpu.assume_multiple %add3A_313, 8 : i32
        %dma_wait3A_315 = arith.constant 0 : i32
        %dma_wait3A_316 = tpu.memref_slice %arg4[%multiple_of3A_314, %dma_wait3A_315] : memref<100000x1024xf32, #tpu.memory_space<hbm>> -> memref<16x1024xf32, #tpu.memory_space<hbm>>
        %dma_wait3A_317 = arith.constant 0 : i32
        %dma_wait3A_318 = tpu.memref_slice %arg4[%multiple_of3A_314, %dma_wait3A_317] : memref<100000x1024xf32, #tpu.memory_space<hbm>> -> memref<16x1024xf32, #tpu.memory_space<hbm>>
        tpu.wait_dma2 semaphore(%arg15 : memref<!tpu.dma_semaphore, #tpu.memory_space<semaphore_mem>>) src(%arg9 : memref<16x1024xf32, #tpu.memory_space<vmem>>) dst(%dma_wait3A_318 : memref<16x1024xf32, #tpu.memory_space<hbm>>)
      } else {
      }
      %mul3A_62 = arith.constant 16 : i32
      %mul3A_63 = arith.muli %add3A_51, %mul3A_62 : i32
      %add3A_64 = arith.addi %mul3A_2, %mul3A_63 : i32
      %add3A_65 = arith.constant 0 : i32
      %add3A_66 = arith.addi %add3A_64, %add3A_65 : i32
      %broadcast_in_dim3A = vector.broadcast %add3A_66 : i32 to vector<16xi32>
      %add3A_67 = arith.constant 1 : i32
      %add3A_68 = arith.addi %add3A_64, %add3A_67 : i32
      %broadcast_in_dim3A_69 = vector.broadcast %add3A_68 : i32 to vector<16xi32>
      %add3A_70 = arith.constant 2 : i32
      %add3A_71 = arith.addi %add3A_64, %add3A_70 : i32
      %broadcast_in_dim3A_72 = vector.broadcast %add3A_71 : i32 to vector<16xi32>
      %add3A_73 = arith.constant 3 : i32
      %add3A_74 = arith.addi %add3A_64, %add3A_73 : i32
      %broadcast_in_dim3A_75 = vector.broadcast %add3A_74 : i32 to vector<16xi32>
      %add3A_76 = arith.constant 4 : i32
      %add3A_77 = arith.addi %add3A_64, %add3A_76 : i32
      %broadcast_in_dim3A_78 = vector.broadcast %add3A_77 : i32 to vector<16xi32>
      %add3A_79 = arith.constant 5 : i32
      %add3A_80 = arith.addi %add3A_64, %add3A_79 : i32
      %broadcast_in_dim3A_81 = vector.broadcast %add3A_80 : i32 to vector<16xi32>
      %add3A_82 = arith.constant 6 : i32
      %add3A_83 = arith.addi %add3A_64, %add3A_82 : i32
      %broadcast_in_dim3A_84 = vector.broadcast %add3A_83 : i32 to vector<16xi32>
      %add3A_85 = arith.constant 7 : i32
      %add3A_86 = arith.addi %add3A_64, %add3A_85 : i32
      %broadcast_in_dim3A_87 = vector.broadcast %add3A_86 : i32 to vector<16xi32>
      %add3A_88 = arith.constant 8 : i32
      %add3A_89 = arith.addi %add3A_64, %add3A_88 : i32
      %broadcast_in_dim3A_90 = vector.broadcast %add3A_89 : i32 to vector<16xi32>
      %add3A_91 = arith.constant 9 : i32
      %add3A_92 = arith.addi %add3A_64, %add3A_91 : i32
      %broadcast_in_dim3A_93 = vector.broadcast %add3A_92 : i32 to vector<16xi32>
      %add3A_94 = arith.constant 10 : i32
      %add3A_95 = arith.addi %add3A_64, %add3A_94 : i32
      %broadcast_in_dim3A_96 = vector.broadcast %add3A_95 : i32 to vector<16xi32>
      %add3A_97 = arith.constant 11 : i32
      %add3A_98 = arith.addi %add3A_64, %add3A_97 : i32
      %broadcast_in_dim3A_99 = vector.broadcast %add3A_98 : i32 to vector<16xi32>
      %add3A_100 = arith.constant 12 : i32
      %add3A_101 = arith.addi %add3A_64, %add3A_100 : i32
      %broadcast_in_dim3A_102 = vector.broadcast %add3A_101 : i32 to vector<16xi32>
      %add3A_103 = arith.constant 13 : i32
      %add3A_104 = arith.addi %add3A_64, %add3A_103 : i32
      %broadcast_in_dim3A_105 = vector.broadcast %add3A_104 : i32 to vector<16xi32>
      %add3A_106 = arith.constant 14 : i32
      %add3A_107 = arith.addi %add3A_64, %add3A_106 : i32
      %broadcast_in_dim3A_108 = vector.broadcast %add3A_107 : i32 to vector<16xi32>
      %add3A_109 = arith.constant 15 : i32
      %add3A_110 = arith.addi %add3A_64, %add3A_109 : i32
      %broadcast_in_dim3A_111 = vector.broadcast %add3A_110 : i32 to vector<16xi32>
      %scan3A_112 = arith.constant 0 : i32
      %scan3A_113 = arith.constant 0 : i32
      %scan3A_114 = arith.constant 64 : i32
      %scan3A_115 = arith.addi %scan3A_113, %scan3A_114 : i32
      %scan3A_116 = arith.constant 1 : i32
      scf.for %scan3A_310 = %scan3A_113 to %scan3A_115 step %scan3A_116  : i32 {
        %mul3A_311 = arith.constant 16 : i32
        %mul3A_312 = arith.muli %scan3A_310, %mul3A_311 : i32
        %get3A = arith.index_cast %mul3A_312 : i32 to index
        %get3A_313 = tpu.vector_load %arg5[%get3A] {strides = array<i32>} : memref<1024xi32, #tpu.memory_space<vmem>>, vector<16xi32>,
        %get3A_314 = vector.shape_cast %get3A_313 : vector<16xi32> to vector<16xi32>
        %eq3A = arith.cmpi eq, %get3A_314, %broadcast_in_dim3A : vector<16xi32>
        %get3A_315 = arith.constant 0 : i32
        %get3A_316 = arith.index_cast %get3A_315 : i32 to index
        %get3A_317 = arith.index_cast %mul3A_312 : i32 to index
        %get3A_318 = tpu.vector_load %arg6[%get3A_316, %get3A_317] {strides = array<i32>} : memref<16x1024xf32, #tpu.memory_space<vmem>>, vector<1x16xf32>,
        %get3A_319 = vector.shape_cast %get3A_318 : vector<1x16xf32> to vector<16xf32>
        %jit3A = arith.constant 4.000000e-01 : f32
        %jit3A_320 = arith.constant 0.000000e+00 : f32
        %broadcast_in_dim3A_321 = vector.broadcast %jit3A : f32 to vector<16xf32>
        %broadcast_in_dim3A_322 = vector.broadcast %jit3A_320 : f32 to vector<16xf32>
        %select_n3A = arith.select %eq3A, %broadcast_in_dim3A_321, %broadcast_in_dim3A_322 : vector<16xi1>, vector<16xf32>
        %sub3A = arith.subf %get3A_319, %select_n3A : vector<16xf32>
        %mul3A_323 = arith.constant 6.400000e+01 : f32
        %mul3A_324 = vector.broadcast %mul3A_323 : f32 to vector<16xf32>
        %mul3A_325 = arith.mulf %sub3A, %mul3A_324 : vector<16xf32>
        %swap3A = arith.constant 0 : i32
        %swap3A_326 = arith.index_cast %swap3A : i32 to index
        %swap3A_327 = arith.index_cast %mul3A_312 : i32 to index
        %swap3A_328 = tpu.vector_load %arg9[%swap3A_326, %swap3A_327] {strides = array<i32>} : memref<16x1024xf32, #tpu.memory_space<vmem>>, vector<1x16xf32>,
        %swap3A_329 = vector.shape_cast %swap3A_328 : vector<1x16xf32> to vector<16xf32>
        %swap3A_330 = vector.shape_cast %mul3A_325 : vector<16xf32> to vector<1x16xf32>
        tpu.vector_store %arg9[%swap3A_326, %swap3A_327], %swap3A_330 {strides = array<i32>} : memref<16x1024xf32, #tpu.memory_space<vmem>>, vector<1x16xf32>,
        %eq3A_331 = arith.cmpi eq, %get3A_314, %broadcast_in_dim3A_69 : vector<16xi32>
        %get3A_332 = arith.constant 1 : i32
        %get3A_333 = arith.index_cast %get3A_332 : i32 to index
        %get3A_334 = arith.index_cast %mul3A_312 : i32 to index
        %get3A_335 = tpu.vector_load %arg6[%get3A_333, %get3A_334] {strides = array<i32>} : memref<16x1024xf32, #tpu.memory_space<vmem>>, vector<1x16xf32>,
        %get3A_336 = vector.shape_cast %get3A_335 : vector<1x16xf32> to vector<16xf32>
        %jit3A_337 = arith.constant 4.000000e-01 : f32
        %jit3A_338 = arith.constant 0.000000e+00 : f32
        %broadcast_in_dim3A_339 = vector.broadcast %jit3A_337 : f32 to vector<16xf32>
        %broadcast_in_dim3A_340 = vector.broadcast %jit3A_338 : f32 to vector<16xf32>
        %select_n3A_341 = arith.select %eq3A_331, %broadcast_in_dim3A_339, %broadcast_in_dim3A_340 : vector<16xi1>, vector<16xf32>
        %sub3A_342 = arith.subf %get3A_336, %select_n3A_341 : vector<16xf32>
        %mul3A_343 = arith.constant 6.400000e+01 : f32
        %mul3A_344 = vector.broadcast %mul3A_343 : f32 to vector<16xf32>
        %mul3A_345 = arith.mulf %sub3A_342, %mul3A_344 : vector<16xf32>
        %swap3A_346 = arith.constant 1 : i32
        %swap3A_347 = arith.index_cast %swap3A_346 : i32 to index
        %swap3A_348 = arith.index_cast %mul3A_312 : i32 to index
        %swap3A_349 = tpu.vector_load %arg9[%swap3A_347, %swap3A_348] {strides = array<i32>} : memref<16x1024xf32, #tpu.memory_space<vmem>>, vector<1x16xf32>,
        %swap3A_350 = vector.shape_cast %swap3A_349 : vector<1x16xf32> to vector<16xf32>
        %swap3A_351 = vector.shape_cast %mul3A_345 : vector<16xf32> to vector<1x16xf32>
        tpu.vector_store %arg9[%swap3A_347, %swap3A_348], %swap3A_351 {strides = array<i32>} : memref<16x1024xf32, #tpu.memory_space<vmem>>, vector<1x16xf32>,
        %eq3A_352 = arith.cmpi eq, %get3A_314, %broadcast_in_dim3A_72 : vector<16xi32>
        %get3A_353 = arith.constant 2 : i32
        %get3A_354 = arith.index_cast %get3A_353 : i32 to index
        %get3A_355 = arith.index_cast %mul3A_312 : i32 to index
        %get3A_356 = tpu.vector_load %arg6[%get3A_354, %get3A_355] {strides = array<i32>} : memref<16x1024xf32, #tpu.memory_space<vmem>>, vector<1x16xf32>,
        %get3A_357 = vector.shape_cast %get3A_356 : vector<1x16xf32> to vector<16xf32>
        %jit3A_358 = arith.constant 4.000000e-01 : f32
        %jit3A_359 = arith.constant 0.000000e+00 : f32
        %broadcast_in_dim3A_360 = vector.broadcast %jit3A_358 : f32 to vector<16xf32>
        %broadcast_in_dim3A_361 = vector.broadcast %jit3A_359 : f32 to vector<16xf32>
        %select_n3A_362 = arith.select %eq3A_352, %broadcast_in_dim3A_360, %broadcast_in_dim3A_361 : vector<16xi1>, vector<16xf32>
        %sub3A_363 = arith.subf %get3A_357, %select_n3A_362 : vector<16xf32>
        %mul3A_364 = arith.constant 6.400000e+01 : f32
        %mul3A_365 = vector.broadcast %mul3A_364 : f32 to vector<16xf32>
        %mul3A_366 = arith.mulf %sub3A_363, %mul3A_365 : vector<16xf32>
        %swap3A_367 = arith.constant 2 : i32
        %swap3A_368 = arith.index_cast %swap3A_367 : i32 to index
        %swap3A_369 = arith.index_cast %mul3A_312 : i32 to index
        %swap3A_370 = tpu.vector_load %arg9[%swap3A_368, %swap3A_369] {strides = array<i32>} : memref<16x1024xf32, #tpu.memory_space<vmem>>, vector<1x16xf32>,
        %swap3A_371 = vector.shape_cast %swap3A_370 : vector<1x16xf32> to vector<16xf32>
        %swap3A_372 = vector.shape_cast %mul3A_366 : vector<16xf32> to vector<1x16xf32>
        tpu.vector_store %arg9[%swap3A_368, %swap3A_369], %swap3A_372 {strides = array<i32>} : memref<16x1024xf32, #tpu.memory_space<vmem>>, vector<1x16xf32>,
        %eq3A_373 = arith.cmpi eq, %get3A_314, %broadcast_in_dim3A_75 : vector<16xi32>
        %get3A_374 = arith.constant 3 : i32
        %get3A_375 = arith.index_cast %get3A_374 : i32 to index
        %get3A_376 = arith.index_cast %mul3A_312 : i32 to index
        %get3A_377 = tpu.vector_load %arg6[%get3A_375, %get3A_376] {strides = array<i32>} : memref<16x1024xf32, #tpu.memory_space<vmem>>, vector<1x16xf32>,
        %get3A_378 = vector.shape_cast %get3A_377 : vector<1x16xf32> to vector<16xf32>
        %jit3A_379 = arith.constant 4.000000e-01 : f32
        %jit3A_380 = arith.constant 0.000000e+00 : f32
        %broadcast_in_dim3A_381 = vector.broadcast %jit3A_379 : f32 to vector<16xf32>
        %broadcast_in_dim3A_382 = vector.broadcast %jit3A_380 : f32 to vector<16xf32>
        %select_n3A_383 = arith.select %eq3A_373, %broadcast_in_dim3A_381, %broadcast_in_dim3A_382 : vector<16xi1>, vector<16xf32>
        %sub3A_384 = arith.subf %get3A_378, %select_n3A_383 : vector<16xf32>
        %mul3A_385 = arith.constant 6.400000e+01 : f32
        %mul3A_386 = vector.broadcast %mul3A_385 : f32 to vector<16xf32>
        %mul3A_387 = arith.mulf %sub3A_384, %mul3A_386 : vector<16xf32>
        %swap3A_388 = arith.constant 3 : i32
        %swap3A_389 = arith.index_cast %swap3A_388 : i32 to index
        %swap3A_390 = arith.index_cast %mul3A_312 : i32 to index
        %swap3A_391 = tpu.vector_load %arg9[%swap3A_389, %swap3A_390] {strides = array<i32>} : memref<16x1024xf32, #tpu.memory_space<vmem>>, vector<1x16xf32>,
        %swap3A_392 = vector.shape_cast %swap3A_391 : vector<1x16xf32> to vector<16xf32>
        %swap3A_393 = vector.shape_cast %mul3A_387 : vector<16xf32> to vector<1x16xf32>
        tpu.vector_store %arg9[%swap3A_389, %swap3A_390], %swap3A_393 {strides = array<i32>} : memref<16x1024xf32, #tpu.memory_space<vmem>>, vector<1x16xf32>,
        %eq3A_394 = arith.cmpi eq, %get3A_314, %broadcast_in_dim3A_78 : vector<16xi32>
        %get3A_395 = arith.constant 4 : i32
        %get3A_396 = arith.index_cast %get3A_395 : i32 to index
        %get3A_397 = arith.index_cast %mul3A_312 : i32 to index
        %get3A_398 = tpu.vector_load %arg6[%get3A_396, %get3A_397] {strides = array<i32>} : memref<16x1024xf32, #tpu.memory_space<vmem>>, vector<1x16xf32>,
        %get3A_399 = vector.shape_cast %get3A_398 : vector<1x16xf32> to vector<16xf32>
        %jit3A_400 = arith.constant 4.000000e-01 : f32
        %jit3A_401 = arith.constant 0.000000e+00 : f32
        %broadcast_in_dim3A_402 = vector.broadcast %jit3A_400 : f32 to vector<16xf32>
        %broadcast_in_dim3A_403 = vector.broadcast %jit3A_401 : f32 to vector<16xf32>
        %select_n3A_404 = arith.select %eq3A_394, %broadcast_in_dim3A_402, %broadcast_in_dim3A_403 : vector<16xi1>, vector<16xf32>
        %sub3A_405 = arith.subf %get3A_399, %select_n3A_404 : vector<16xf32>
        %mul3A_406 = arith.constant 6.400000e+01 : f32
        %mul3A_407 = vector.broadcast %mul3A_406 : f32 to vector<16xf32>
        %mul3A_408 = arith.mulf %sub3A_405, %mul3A_407 : vector<16xf32>
        %swap3A_409 = arith.constant 4 : i32
        %swap3A_410 = arith.index_cast %swap3A_409 : i32 to index
        %swap3A_411 = arith.index_cast %mul3A_312 : i32 to index
        %swap3A_412 = tpu.vector_load %arg9[%swap3A_410, %swap3A_411] {strides = array<i32>} : memref<16x1024xf32, #tpu.memory_space<vmem>>, vector<1x16xf32>,
        %swap3A_413 = vector.shape_cast %swap3A_412 : vector<1x16xf32> to vector<16xf32>
        %swap3A_414 = vector.shape_cast %mul3A_408 : vector<16xf32> to vector<1x16xf32>
        tpu.vector_store %arg9[%swap3A_410, %swap3A_411], %swap3A_414 {strides = array<i32>} : memref<16x1024xf32, #tpu.memory_space<vmem>>, vector<1x16xf32>,
        %eq3A_415 = arith.cmpi eq, %get3A_314, %broadcast_in_dim3A_81 : vector<16xi32>
        %get3A_416 = arith.constant 5 : i32
        %get3A_417 = arith.index_cast %get3A_416 : i32 to index
        %get3A_418 = arith.index_cast %mul3A_312 : i32 to index
        %get3A_419 = tpu.vector_load %arg6[%get3A_417, %get3A_418] {strides = array<i32>} : memref<16x1024xf32, #tpu.memory_space<vmem>>, vector<1x16xf32>,
        %get3A_420 = vector.shape_cast %get3A_419 : vector<1x16xf32> to vector<16xf32>
        %jit3A_421 = arith.constant 4.000000e-01 : f32
        %jit3A_422 = arith.constant 0.000000e+00 : f32
        %broadcast_in_dim3A_423 = vector.broadcast %jit3A_421 : f32 to vector<16xf32>
        %broadcast_in_dim3A_424 = vector.broadcast %jit3A_422 : f32 to vector<16xf32>
        %select_n3A_425 = arith.select %eq3A_415, %broadcast_in_dim3A_423, %broadcast_in_dim3A_424 : vector<16xi1>, vector<16xf32>
        %sub3A_426 = arith.subf %get3A_420, %select_n3A_425 : vector<16xf32>
        %mul3A_427 = arith.constant 6.400000e+01 : f32
        %mul3A_428 = vector.broadcast %mul3A_427 : f32 to vector<16xf32>
        %mul3A_429 = arith.mulf %sub3A_426, %mul3A_428 : vector<16xf32>
        %swap3A_430 = arith.constant 5 : i32
        %swap3A_431 = arith.index_cast %swap3A_430 : i32 to index
        %swap3A_432 = arith.index_cast %mul3A_312 : i32 to index
        %swap3A_433 = tpu.vector_load %arg9[%swap3A_431, %swap3A_432] {strides = array<i32>} : memref<16x1024xf32, #tpu.memory_space<vmem>>, vector<1x16xf32>,
        %swap3A_434 = vector.shape_cast %swap3A_433 : vector<1x16xf32> to vector<16xf32>
        %swap3A_435 = vector.shape_cast %mul3A_429 : vector<16xf32> to vector<1x16xf32>
        tpu.vector_store %arg9[%swap3A_431, %swap3A_432], %swap3A_435 {strides = array<i32>} : memref<16x1024xf32, #tpu.memory_space<vmem>>, vector<1x16xf32>,
        %eq3A_436 = arith.cmpi eq, %get3A_314, %broadcast_in_dim3A_84 : vector<16xi32>
        %get3A_437 = arith.constant 6 : i32
        %get3A_438 = arith.index_cast %get3A_437 : i32 to index
        %get3A_439 = arith.index_cast %mul3A_312 : i32 to index
        %get3A_440 = tpu.vector_load %arg6[%get3A_438, %get3A_439] {strides = array<i32>} : memref<16x1024xf32, #tpu.memory_space<vmem>>, vector<1x16xf32>,
        %get3A_441 = vector.shape_cast %get3A_440 : vector<1x16xf32> to vector<16xf32>
        %jit3A_442 = arith.constant 4.000000e-01 : f32
        %jit3A_443 = arith.constant 0.000000e+00 : f32
        %broadcast_in_dim3A_444 = vector.broadcast %jit3A_442 : f32 to vector<16xf32>
        %broadcast_in_dim3A_445 = vector.broadcast %jit3A_443 : f32 to vector<16xf32>
        %select_n3A_446 = arith.select %eq3A_436, %broadcast_in_dim3A_444, %broadcast_in_dim3A_445 : vector<16xi1>, vector<16xf32>
        %sub3A_447 = arith.subf %get3A_441, %select_n3A_446 : vector<16xf32>
        %mul3A_448 = arith.constant 6.400000e+01 : f32
        %mul3A_449 = vector.broadcast %mul3A_448 : f32 to vector<16xf32>
        %mul3A_450 = arith.mulf %sub3A_447, %mul3A_449 : vector<16xf32>
        %swap3A_451 = arith.constant 6 : i32
        %swap3A_452 = arith.index_cast %swap3A_451 : i32 to index
        %swap3A_453 = arith.index_cast %mul3A_312 : i32 to index
        %swap3A_454 = tpu.vector_load %arg9[%swap3A_452, %swap3A_453] {strides = array<i32>} : memref<16x1024xf32, #tpu.memory_space<vmem>>, vector<1x16xf32>,
        %swap3A_455 = vector.shape_cast %swap3A_454 : vector<1x16xf32> to vector<16xf32>
        %swap3A_456 = vector.shape_cast %mul3A_450 : vector<16xf32> to vector<1x16xf32>
        tpu.vector_store %arg9[%swap3A_452, %swap3A_453], %swap3A_456 {strides = array<i32>} : memref<16x1024xf32, #tpu.memory_space<vmem>>, vector<1x16xf32>,
        %eq3A_457 = arith.cmpi eq, %get3A_314, %broadcast_in_dim3A_87 : vector<16xi32>
        %get3A_458 = arith.constant 7 : i32
        %get3A_459 = arith.index_cast %get3A_458 : i32 to index
        %get3A_460 = arith.index_cast %mul3A_312 : i32 to index
        %get3A_461 = tpu.vector_load %arg6[%get3A_459, %get3A_460] {strides = array<i32>} : memref<16x1024xf32, #tpu.memory_space<vmem>>, vector<1x16xf32>,
        %get3A_462 = vector.shape_cast %get3A_461 : vector<1x16xf32> to vector<16xf32>
        %jit3A_463 = arith.constant 4.000000e-01 : f32
        %jit3A_464 = arith.constant 0.000000e+00 : f32
        %broadcast_in_dim3A_465 = vector.broadcast %jit3A_463 : f32 to vector<16xf32>
        %broadcast_in_dim3A_466 = vector.broadcast %jit3A_464 : f32 to vector<16xf32>
        %select_n3A_467 = arith.select %eq3A_457, %broadcast_in_dim3A_465, %broadcast_in_dim3A_466 : vector<16xi1>, vector<16xf32>
        %sub3A_468 = arith.subf %get3A_462, %select_n3A_467 : vector<16xf32>
        %mul3A_469 = arith.constant 6.400000e+01 : f32
        %mul3A_470 = vector.broadcast %mul3A_469 : f32 to vector<16xf32>
        %mul3A_471 = arith.mulf %sub3A_468, %mul3A_470 : vector<16xf32>
        %swap3A_472 = arith.constant 7 : i32
        %swap3A_473 = arith.index_cast %swap3A_472 : i32 to index
        %swap3A_474 = arith.index_cast %mul3A_312 : i32 to index
        %swap3A_475 = tpu.vector_load %arg9[%swap3A_473, %swap3A_474] {strides = array<i32>} : memref<16x1024xf32, #tpu.memory_space<vmem>>, vector<1x16xf32>,
        %swap3A_476 = vector.shape_cast %swap3A_475 : vector<1x16xf32> to vector<16xf32>
        %swap3A_477 = vector.shape_cast %mul3A_471 : vector<16xf32> to vector<1x16xf32>
        tpu.vector_store %arg9[%swap3A_473, %swap3A_474], %swap3A_477 {strides = array<i32>} : memref<16x1024xf32, #tpu.memory_space<vmem>>, vector<1x16xf32>,
        %eq3A_478 = arith.cmpi eq, %get3A_314, %broadcast_in_dim3A_90 : vector<16xi32>
        %get3A_479 = arith.constant 8 : i32
        %get3A_480 = arith.index_cast %get3A_479 : i32 to index
        %get3A_481 = arith.index_cast %mul3A_312 : i32 to index
        %get3A_482 = tpu.vector_load %arg6[%get3A_480, %get3A_481] {strides = array<i32>} : memref<16x1024xf32, #tpu.memory_space<vmem>>, vector<1x16xf32>,
        %get3A_483 = vector.shape_cast %get3A_482 : vector<1x16xf32> to vector<16xf32>
        %jit3A_484 = arith.constant 4.000000e-01 : f32
        %jit3A_485 = arith.constant 0.000000e+00 : f32
        %broadcast_in_dim3A_486 = vector.broadcast %jit3A_484 : f32 to vector<16xf32>
        %broadcast_in_dim3A_487 = vector.broadcast %jit3A_485 : f32 to vector<16xf32>
        %select_n3A_488 = arith.select %eq3A_478, %broadcast_in_dim3A_486, %broadcast_in_dim3A_487 : vector<16xi1>, vector<16xf32>
        %sub3A_489 = arith.subf %get3A_483, %select_n3A_488 : vector<16xf32>
        %mul3A_490 = arith.constant 6.400000e+01 : f32
        %mul3A_491 = vector.broadcast %mul3A_490 : f32 to vector<16xf32>
        %mul3A_492 = arith.mulf %sub3A_489, %mul3A_491 : vector<16xf32>
        %swap3A_493 = arith.constant 8 : i32
        %swap3A_494 = arith.index_cast %swap3A_493 : i32 to index
        %swap3A_495 = arith.index_cast %mul3A_312 : i32 to index
        %swap3A_496 = tpu.vector_load %arg9[%swap3A_494, %swap3A_495] {strides = array<i32>} : memref<16x1024xf32, #tpu.memory_space<vmem>>, vector<1x16xf32>,
        %swap3A_497 = vector.shape_cast %swap3A_496 : vector<1x16xf32> to vector<16xf32>
        %swap3A_498 = vector.shape_cast %mul3A_492 : vector<16xf32> to vector<1x16xf32>
        tpu.vector_store %arg9[%swap3A_494, %swap3A_495], %swap3A_498 {strides = array<i32>} : memref<16x1024xf32, #tpu.memory_space<vmem>>, vector<1x16xf32>,
        %eq3A_499 = arith.cmpi eq, %get3A_314, %broadcast_in_dim3A_93 : vector<16xi32>
        %get3A_500 = arith.constant 9 : i32
        %get3A_501 = arith.index_cast %get3A_500 : i32 to index
        %get3A_502 = arith.index_cast %mul3A_312 : i32 to index
        %get3A_503 = tpu.vector_load %arg6[%get3A_501, %get3A_502] {strides = array<i32>} : memref<16x1024xf32, #tpu.memory_space<vmem>>, vector<1x16xf32>,
        %get3A_504 = vector.shape_cast %get3A_503 : vector<1x16xf32> to vector<16xf32>
        %jit3A_505 = arith.constant 4.000000e-01 : f32
        %jit3A_506 = arith.constant 0.000000e+00 : f32
        %broadcast_in_dim3A_507 = vector.broadcast %jit3A_505 : f32 to vector<16xf32>
        %broadcast_in_dim3A_508 = vector.broadcast %jit3A_506 : f32 to vector<16xf32>
        %select_n3A_509 = arith.select %eq3A_499, %broadcast_in_dim3A_507, %broadcast_in_dim3A_508 : vector<16xi1>, vector<16xf32>
        %sub3A_510 = arith.subf %get3A_504, %select_n3A_509 : vector<16xf32>
        %mul3A_511 = arith.constant 6.400000e+01 : f32
        %mul3A_512 = vector.broadcast %mul3A_511 : f32 to vector<16xf32>
        %mul3A_513 = arith.mulf %sub3A_510, %mul3A_512 : vector<16xf32>
        %swap3A_514 = arith.constant 9 : i32
        %swap3A_515 = arith.index_cast %swap3A_514 : i32 to index
        %swap3A_516 = arith.index_cast %mul3A_312 : i32 to index
        %swap3A_517 = tpu.vector_load %arg9[%swap3A_515, %swap3A_516] {strides = array<i32>} : memref<16x1024xf32, #tpu.memory_space<vmem>>, vector<1x16xf32>,
        %swap3A_518 = vector.shape_cast %swap3A_517 : vector<1x16xf32> to vector<16xf32>
        %swap3A_519 = vector.shape_cast %mul3A_513 : vector<16xf32> to vector<1x16xf32>
        tpu.vector_store %arg9[%swap3A_515, %swap3A_516], %swap3A_519 {strides = array<i32>} : memref<16x1024xf32, #tpu.memory_space<vmem>>, vector<1x16xf32>,
        %eq3A_520 = arith.cmpi eq, %get3A_314, %broadcast_in_dim3A_96 : vector<16xi32>
        %get3A_521 = arith.constant 10 : i32
        %get3A_522 = arith.index_cast %get3A_521 : i32 to index
        %get3A_523 = arith.index_cast %mul3A_312 : i32 to index
        %get3A_524 = tpu.vector_load %arg6[%get3A_522, %get3A_523] {strides = array<i32>} : memref<16x1024xf32, #tpu.memory_space<vmem>>, vector<1x16xf32>,
        %get3A_525 = vector.shape_cast %get3A_524 : vector<1x16xf32> to vector<16xf32>
        %jit3A_526 = arith.constant 4.000000e-01 : f32
        %jit3A_527 = arith.constant 0.000000e+00 : f32
        %broadcast_in_dim3A_528 = vector.broadcast %jit3A_526 : f32 to vector<16xf32>
        %broadcast_in_dim3A_529 = vector.broadcast %jit3A_527 : f32 to vector<16xf32>
        %select_n3A_530 = arith.select %eq3A_520, %broadcast_in_dim3A_528, %broadcast_in_dim3A_529 : vector<16xi1>, vector<16xf32>
        %sub3A_531 = arith.subf %get3A_525, %select_n3A_530 : vector<16xf32>
        %mul3A_532 = arith.constant 6.400000e+01 : f32
        %mul3A_533 = vector.broadcast %mul3A_532 : f32 to vector<16xf32>
        %mul3A_534 = arith.mulf %sub3A_531, %mul3A_533 : vector<16xf32>
        %swap3A_535 = arith.constant 10 : i32
        %swap3A_536 = arith.index_cast %swap3A_535 : i32 to index
        %swap3A_537 = arith.index_cast %mul3A_312 : i32 to index
        %swap3A_538 = tpu.vector_load %arg9[%swap3A_536, %swap3A_537] {strides = array<i32>} : memref<16x1024xf32, #tpu.memory_space<vmem>>, vector<1x16xf32>,
        %swap3A_539 = vector.shape_cast %swap3A_538 : vector<1x16xf32> to vector<16xf32>
        %swap3A_540 = vector.shape_cast %mul3A_534 : vector<16xf32> to vector<1x16xf32>
        tpu.vector_store %arg9[%swap3A_536, %swap3A_537], %swap3A_540 {strides = array<i32>} : memref<16x1024xf32, #tpu.memory_space<vmem>>, vector<1x16xf32>,
        %eq3A_541 = arith.cmpi eq, %get3A_314, %broadcast_in_dim3A_99 : vector<16xi32>
        %get3A_542 = arith.constant 11 : i32
        %get3A_543 = arith.index_cast %get3A_542 : i32 to index
        %get3A_544 = arith.index_cast %mul3A_312 : i32 to index
        %get3A_545 = tpu.vector_load %arg6[%get3A_543, %get3A_544] {strides = array<i32>} : memref<16x1024xf32, #tpu.memory_space<vmem>>, vector<1x16xf32>,
        %get3A_546 = vector.shape_cast %get3A_545 : vector<1x16xf32> to vector<16xf32>
        %jit3A_547 = arith.constant 4.000000e-01 : f32
        %jit3A_548 = arith.constant 0.000000e+00 : f32
        %broadcast_in_dim3A_549 = vector.broadcast %jit3A_547 : f32 to vector<16xf32>
        %broadcast_in_dim3A_550 = vector.broadcast %jit3A_548 : f32 to vector<16xf32>
        %select_n3A_551 = arith.select %eq3A_541, %broadcast_in_dim3A_549, %broadcast_in_dim3A_550 : vector<16xi1>, vector<16xf32>
        %sub3A_552 = arith.subf %get3A_546, %select_n3A_551 : vector<16xf32>
        %mul3A_553 = arith.constant 6.400000e+01 : f32
        %mul3A_554 = vector.broadcast %mul3A_553 : f32 to vector<16xf32>
        %mul3A_555 = arith.mulf %sub3A_552, %mul3A_554 : vector<16xf32>
        %swap3A_556 = arith.constant 11 : i32
        %swap3A_557 = arith.index_cast %swap3A_556 : i32 to index
        %swap3A_558 = arith.index_cast %mul3A_312 : i32 to index
        %swap3A_559 = tpu.vector_load %arg9[%swap3A_557, %swap3A_558] {strides = array<i32>} : memref<16x1024xf32, #tpu.memory_space<vmem>>, vector<1x16xf32>,
        %swap3A_560 = vector.shape_cast %swap3A_559 : vector<1x16xf32> to vector<16xf32>
        %swap3A_561 = vector.shape_cast %mul3A_555 : vector<16xf32> to vector<1x16xf32>
        tpu.vector_store %arg9[%swap3A_557, %swap3A_558], %swap3A_561 {strides = array<i32>} : memref<16x1024xf32, #tpu.memory_space<vmem>>, vector<1x16xf32>,
        %eq3A_562 = arith.cmpi eq, %get3A_314, %broadcast_in_dim3A_102 : vector<16xi32>
        %get3A_563 = arith.constant 12 : i32
        %get3A_564 = arith.index_cast %get3A_563 : i32 to index
        %get3A_565 = arith.index_cast %mul3A_312 : i32 to index
        %get3A_566 = tpu.vector_load %arg6[%get3A_564, %get3A_565] {strides = array<i32>} : memref<16x1024xf32, #tpu.memory_space<vmem>>, vector<1x16xf32>,
        %get3A_567 = vector.shape_cast %get3A_566 : vector<1x16xf32> to vector<16xf32>
        %jit3A_568 = arith.constant 4.000000e-01 : f32
        %jit3A_569 = arith.constant 0.000000e+00 : f32
        %broadcast_in_dim3A_570 = vector.broadcast %jit3A_568 : f32 to vector<16xf32>
        %broadcast_in_dim3A_571 = vector.broadcast %jit3A_569 : f32 to vector<16xf32>
        %select_n3A_572 = arith.select %eq3A_562, %broadcast_in_dim3A_570, %broadcast_in_dim3A_571 : vector<16xi1>, vector<16xf32>
        %sub3A_573 = arith.subf %get3A_567, %select_n3A_572 : vector<16xf32>
        %mul3A_574 = arith.constant 6.400000e+01 : f32
        %mul3A_575 = vector.broadcast %mul3A_574 : f32 to vector<16xf32>
        %mul3A_576 = arith.mulf %sub3A_573, %mul3A_575 : vector<16xf32>
        %swap3A_577 = arith.constant 12 : i32
        %swap3A_578 = arith.index_cast %swap3A_577 : i32 to index
        %swap3A_579 = arith.index_cast %mul3A_312 : i32 to index
        %swap3A_580 = tpu.vector_load %arg9[%swap3A_578, %swap3A_579] {strides = array<i32>} : memref<16x1024xf32, #tpu.memory_space<vmem>>, vector<1x16xf32>,
        %swap3A_581 = vector.shape_cast %swap3A_580 : vector<1x16xf32> to vector<16xf32>
        %swap3A_582 = vector.shape_cast %mul3A_576 : vector<16xf32> to vector<1x16xf32>
        tpu.vector_store %arg9[%swap3A_578, %swap3A_579], %swap3A_582 {strides = array<i32>} : memref<16x1024xf32, #tpu.memory_space<vmem>>, vector<1x16xf32>,
        %eq3A_583 = arith.cmpi eq, %get3A_314, %broadcast_in_dim3A_105 : vector<16xi32>
        %get3A_584 = arith.constant 13 : i32
        %get3A_585 = arith.index_cast %get3A_584 : i32 to index
        %get3A_586 = arith.index_cast %mul3A_312 : i32 to index
        %get3A_587 = tpu.vector_load %arg6[%get3A_585, %get3A_586] {strides = array<i32>} : memref<16x1024xf32, #tpu.memory_space<vmem>>, vector<1x16xf32>,
        %get3A_588 = vector.shape_cast %get3A_587 : vector<1x16xf32> to vector<16xf32>
        %jit3A_589 = arith.constant 4.000000e-01 : f32
        %jit3A_590 = arith.constant 0.000000e+00 : f32
        %broadcast_in_dim3A_591 = vector.broadcast %jit3A_589 : f32 to vector<16xf32>
        %broadcast_in_dim3A_592 = vector.broadcast %jit3A_590 : f32 to vector<16xf32>
        %select_n3A_593 = arith.select %eq3A_583, %broadcast_in_dim3A_591, %broadcast_in_dim3A_592 : vector<16xi1>, vector<16xf32>
        %sub3A_594 = arith.subf %get3A_588, %select_n3A_593 : vector<16xf32>
        %mul3A_595 = arith.constant 6.400000e+01 : f32
        %mul3A_596 = vector.broadcast %mul3A_595 : f32 to vector<16xf32>
        %mul3A_597 = arith.mulf %sub3A_594, %mul3A_596 : vector<16xf32>
        %swap3A_598 = arith.constant 13 : i32
        %swap3A_599 = arith.index_cast %swap3A_598 : i32 to index
        %swap3A_600 = arith.index_cast %mul3A_312 : i32 to index
        %swap3A_601 = tpu.vector_load %arg9[%swap3A_599, %swap3A_600] {strides = array<i32>} : memref<16x1024xf32, #tpu.memory_space<vmem>>, vector<1x16xf32>,
        %swap3A_602 = vector.shape_cast %swap3A_601 : vector<1x16xf32> to vector<16xf32>
        %swap3A_603 = vector.shape_cast %mul3A_597 : vector<16xf32> to vector<1x16xf32>
        tpu.vector_store %arg9[%swap3A_599, %swap3A_600], %swap3A_603 {strides = array<i32>} : memref<16x1024xf32, #tpu.memory_space<vmem>>, vector<1x16xf32>,
        %eq3A_604 = arith.cmpi eq, %get3A_314, %broadcast_in_dim3A_108 : vector<16xi32>
        %get3A_605 = arith.constant 14 : i32
        %get3A_606 = arith.index_cast %get3A_605 : i32 to index
        %get3A_607 = arith.index_cast %mul3A_312 : i32 to index
        %get3A_608 = tpu.vector_load %arg6[%get3A_606, %get3A_607] {strides = array<i32>} : memref<16x1024xf32, #tpu.memory_space<vmem>>, vector<1x16xf32>,
        %get3A_609 = vector.shape_cast %get3A_608 : vector<1x16xf32> to vector<16xf32>
        %jit3A_610 = arith.constant 4.000000e-01 : f32
        %jit3A_611 = arith.constant 0.000000e+00 : f32
        %broadcast_in_dim3A_612 = vector.broadcast %jit3A_610 : f32 to vector<16xf32>
        %broadcast_in_dim3A_613 = vector.broadcast %jit3A_611 : f32 to vector<16xf32>
        %select_n3A_614 = arith.select %eq3A_604, %broadcast_in_dim3A_612, %broadcast_in_dim3A_613 : vector<16xi1>, vector<16xf32>
        %sub3A_615 = arith.subf %get3A_609, %select_n3A_614 : vector<16xf32>
        %mul3A_616 = arith.constant 6.400000e+01 : f32
        %mul3A_617 = vector.broadcast %mul3A_616 : f32 to vector<16xf32>
        %mul3A_618 = arith.mulf %sub3A_615, %mul3A_617 : vector<16xf32>
        %swap3A_619 = arith.constant 14 : i32
        %swap3A_620 = arith.index_cast %swap3A_619 : i32 to index
        %swap3A_621 = arith.index_cast %mul3A_312 : i32 to index
        %swap3A_622 = tpu.vector_load %arg9[%swap3A_620, %swap3A_621] {strides = array<i32>} : memref<16x1024xf32, #tpu.memory_space<vmem>>, vector<1x16xf32>,
        %swap3A_623 = vector.shape_cast %swap3A_622 : vector<1x16xf32> to vector<16xf32>
        %swap3A_624 = vector.shape_cast %mul3A_618 : vector<16xf32> to vector<1x16xf32>
        tpu.vector_store %arg9[%swap3A_620, %swap3A_621], %swap3A_624 {strides = array<i32>} : memref<16x1024xf32, #tpu.memory_space<vmem>>, vector<1x16xf32>,
        %eq3A_625 = arith.cmpi eq, %get3A_314, %broadcast_in_dim3A_111 : vector<16xi32>
        %get3A_626 = arith.constant 15 : i32
        %get3A_627 = arith.index_cast %get3A_626 : i32 to index
        %get3A_628 = arith.index_cast %mul3A_312 : i32 to index
        %get3A_629 = tpu.vector_load %arg6[%get3A_627, %get3A_628] {strides = array<i32>} : memref<16x1024xf32, #tpu.memory_space<vmem>>, vector<1x16xf32>,
        %get3A_630 = vector.shape_cast %get3A_629 : vector<1x16xf32> to vector<16xf32>
        %jit3A_631 = arith.constant 4.000000e-01 : f32
        %jit3A_632 = arith.constant 0.000000e+00 : f32
        %broadcast_in_dim3A_633 = vector.broadcast %jit3A_631 : f32 to vector<16xf32>
        %broadcast_in_dim3A_634 = vector.broadcast %jit3A_632 : f32 to vector<16xf32>
        %select_n3A_635 = arith.select %eq3A_625, %broadcast_in_dim3A_633, %broadcast_in_dim3A_634 : vector<16xi1>, vector<16xf32>
        %sub3A_636 = arith.subf %get3A_630, %select_n3A_635 : vector<16xf32>
        %mul3A_637 = arith.constant 6.400000e+01 : f32
        %mul3A_638 = vector.broadcast %mul3A_637 : f32 to vector<16xf32>
        %mul3A_639 = arith.mulf %sub3A_636, %mul3A_638 : vector<16xf32>
        %swap3A_640 = arith.constant 15 : i32
        %swap3A_641 = arith.index_cast %swap3A_640 : i32 to index
        %swap3A_642 = arith.index_cast %mul3A_312 : i32 to index
        %swap3A_643 = tpu.vector_load %arg9[%swap3A_641, %swap3A_642] {strides = array<i32>} : memref<16x1024xf32, #tpu.memory_space<vmem>>, vector<1x16xf32>,
        %swap3A_644 = vector.shape_cast %swap3A_643 : vector<1x16xf32> to vector<16xf32>
        %swap3A_645 = vector.shape_cast %mul3A_639 : vector<16xf32> to vector<1x16xf32>
        tpu.vector_store %arg9[%swap3A_641, %swap3A_642], %swap3A_645 {strides = array<i32>} : memref<16x1024xf32, #tpu.memory_space<vmem>>, vector<1x16xf32>,
      }
      %scan3A_117 = arith.constant 64 : i32
      %mul3A_118 = arith.constant 16 : i32
      %mul3A_119 = arith.muli %add3A_51, %mul3A_118 : i32
      %add3A_120 = arith.addi %mul3A_2, %mul3A_119 : i32
      %multiple_of3A_121 = tpu.assume_multiple %add3A_120, 8 : i32
      %dma_start3A_122 = arith.constant 0 : i32
      %dma_start3A_123 = tpu.memref_slice %arg4[%multiple_of3A_121, %dma_start3A_122] : memref<100000x1024xf32, #tpu.memory_space<hbm>> -> memref<16x1024xf32, #tpu.memory_space<hbm>>
      %dma_start3A_124 = arith.constant 0 : i32
      %dma_start3A_125 = tpu.memref_slice %arg4[%multiple_of3A_121, %dma_start3A_124] : memref<100000x1024xf32, #tpu.memory_space<hbm>> -> memref<16x1024xf32, #tpu.memory_space<hbm>>
      tpu.enqueue_dma source(%arg9 : memref<16x1024xf32, #tpu.memory_space<vmem>>) target(%dma_start3A_125 : memref<16x1024xf32, #tpu.memory_space<hbm>>) target_semaphore(%arg15 : memref<!tpu.dma_semaphore, #tpu.memory_space<semaphore_mem>>)
      %add3A_126 = arith.constant 3 : i32
      %add3A_127 = arith.addi %add3A_51, %add3A_126 : i32
      %lt3A = arith.constant 195 : i32
      %lt3A_128 = arith.cmpi slt, %add3A_127, %lt3A : i32
      %convert_element_type3A_129 = arith.extui %lt3A_128 : i1 to i32
      %cond3A_130 = arith.constant 0 : i32
      %cond3A_131 = arith.cmpi ne, %convert_element_type3A_129, %cond3A_130 : i32
      scf.if %cond3A_131 {
        %add3A_310 = arith.constant 3 : i32
        %add3A_311 = arith.addi %add3A_51, %add3A_310 : i32
        %mul3A_312 = arith.constant 16 : i32
        %mul3A_313 = arith.muli %add3A_311, %mul3A_312 : i32
        %add3A_314 = arith.addi %mul3A_2, %mul3A_313 : i32
        %multiple_of3A_315 = tpu.assume_multiple %add3A_314, 8 : i32
        %dma_start3A_316 = arith.constant 0 : i32
        %dma_start3A_317 = tpu.memref_slice %arg2[%multiple_of3A_315, %dma_start3A_316] : memref<100000x1024xf32, #tpu.memory_space<hbm>> -> memref<16x1024xf32, #tpu.memory_space<hbm>>
        %dma_start3A_318 = arith.constant 0 : i32
        %dma_start3A_319 = tpu.memref_slice %arg2[%multiple_of3A_315, %dma_start3A_318] : memref<100000x1024xf32, #tpu.memory_space<hbm>> -> memref<16x1024xf32, #tpu.memory_space<hbm>>
        tpu.enqueue_dma source(%dma_start3A_319 : memref<16x1024xf32, #tpu.memory_space<hbm>>) target(%arg6 : memref<16x1024xf32, #tpu.memory_space<vmem>>) target_semaphore(%arg12 : memref<!tpu.dma_semaphore, #tpu.memory_space<semaphore_mem>>)
      } else {
      }
      %mul3A_132 = arith.constant 3 : i32
      %mul3A_133 = arith.muli %scan3A_47, %mul3A_132 : i32
      %add3A_134 = arith.constant 1 : i32
      %add3A_135 = arith.addi %mul3A_133, %add3A_134 : i32
      %mul3A_136 = arith.constant 16 : i32
      %mul3A_137 = arith.muli %add3A_135, %mul3A_136 : i32
      %add3A_138 = arith.addi %mul3A_2, %mul3A_137 : i32
      %multiple_of3A_139 = tpu.assume_multiple %add3A_138, 8 : i32
      %dma_wait3A_140 = arith.constant 0 : i32
      %dma_wait3A_141 = tpu.memref_slice %arg2[%multiple_of3A_139, %dma_wait3A_140] : memref<100000x1024xf32, #tpu.memory_space<hbm>> -> memref<16x1024xf32, #tpu.memory_space<hbm>>
      %dma_wait3A_142 = arith.constant 0 : i32
      %dma_wait3A_143 = tpu.memref_slice %arg2[%multiple_of3A_139, %dma_wait3A_142] : memref<100000x1024xf32, #tpu.memory_space<hbm>> -> memref<16x1024xf32, #tpu.memory_space<hbm>>
      tpu.wait_dma2 semaphore(%arg13 : memref<!tpu.dma_semaphore, #tpu.memory_space<semaphore_mem>>) src(%dma_wait3A_143 : memref<16x1024xf32, #tpu.memory_space<hbm>>) dst(%arg7 : memref<16x1024xf32, #tpu.memory_space<vmem>>)
      %ge3A_144 = arith.constant 3 : i32
      %ge3A_145 = arith.cmpi sge, %add3A_135, %ge3A_144 : i32
      %convert_element_type3A_146 = arith.extui %ge3A_145 : i1 to i32
      %cond3A_147 = arith.constant 0 : i32
      %cond3A_148 = arith.cmpi ne, %convert_element_type3A_146, %cond3A_147 : i32
      scf.if %cond3A_148 {
        %sub3A = arith.constant 3 : i32
        %sub3A_310 = arith.subi %add3A_135, %sub3A : i32
        %mul3A_311 = arith.constant 16 : i32
        %mul3A_312 = arith.muli %sub3A_310, %mul3A_311 : i32
        %add3A_313 = arith.addi %mul3A_2, %mul3A_312 : i32
        %multiple_of3A_314 = tpu.assume_multiple %add3A_313, 8 : i32
        %dma_wait3A_315 = arith.constant 0 : i32
        %dma_wait3A_316 = tpu.memref_slice %arg4[%multiple_of3A_314, %dma_wait3A_315] : memref<100000x1024xf32, #tpu.memory_space<hbm>> -> memref<16x1024xf32, #tpu.memory_space<hbm>>
        %dma_wait3A_317 = arith.constant 0 : i32
        %dma_wait3A_318 = tpu.memref_slice %arg4[%multiple_of3A_314, %dma_wait3A_317] : memref<100000x1024xf32, #tpu.memory_space<hbm>> -> memref<16x1024xf32, #tpu.memory_space<hbm>>
        tpu.wait_dma2 semaphore(%arg16 : memref<!tpu.dma_semaphore, #tpu.memory_space<semaphore_mem>>) src(%arg10 : memref<16x1024xf32, #tpu.memory_space<vmem>>) dst(%dma_wait3A_318 : memref<16x1024xf32, #tpu.memory_space<hbm>>)
      } else {
      }
      %mul3A_149 = arith.constant 16 : i32
      %mul3A_150 = arith.muli %add3A_135, %mul3A_149 : i32
      %add3A_151 = arith.addi %mul3A_2, %mul3A_150 : i32
      %add3A_152 = arith.constant 0 : i32
      %add3A_153 = arith.addi %add3A_151, %add3A_152 : i32
      %broadcast_in_dim3A_154 = vector.broadcast %add3A_153 : i32 to vector<16xi32>
      %add3A_155 = arith.constant 1 : i32
      %add3A_156 = arith.addi %add3A_151, %add3A_155 : i32
      %broadcast_in_dim3A_157 = vector.broadcast %add3A_156 : i32 to vector<16xi32>
      %add3A_158 = arith.constant 2 : i32
      %add3A_159 = arith.addi %add3A_151, %add3A_158 : i32
      %broadcast_in_dim3A_160 = vector.broadcast %add3A_159 : i32 to vector<16xi32>
      %add3A_161 = arith.constant 3 : i32
      %add3A_162 = arith.addi %add3A_151, %add3A_161 : i32
      %broadcast_in_dim3A_163 = vector.broadcast %add3A_162 : i32 to vector<16xi32>
      %add3A_164 = arith.constant 4 : i32
      %add3A_165 = arith.addi %add3A_151, %add3A_164 : i32
      %broadcast_in_dim3A_166 = vector.broadcast %add3A_165 : i32 to vector<16xi32>
      %add3A_167 = arith.constant 5 : i32
      %add3A_168 = arith.addi %add3A_151, %add3A_167 : i32
      %broadcast_in_dim3A_169 = vector.broadcast %add3A_168 : i32 to vector<16xi32>
      %add3A_170 = arith.constant 6 : i32
      %add3A_171 = arith.addi %add3A_151, %add3A_170 : i32
      %broadcast_in_dim3A_172 = vector.broadcast %add3A_171 : i32 to vector<16xi32>
      %add3A_173 = arith.constant 7 : i32
      %add3A_174 = arith.addi %add3A_151, %add3A_173 : i32
      %broadcast_in_dim3A_175 = vector.broadcast %add3A_174 : i32 to vector<16xi32>
      %add3A_176 = arith.constant 8 : i32
      %add3A_177 = arith.addi %add3A_151, %add3A_176 : i32
      %broadcast_in_dim3A_178 = vector.broadcast %add3A_177 : i32 to vector<16xi32>
      %add3A_179 = arith.constant 9 : i32
      %add3A_180 = arith.addi %add3A_151, %add3A_179 : i32
      %broadcast_in_dim3A_181 = vector.broadcast %add3A_180 : i32 to vector<16xi32>
      %add3A_182 = arith.constant 10 : i32
      %add3A_183 = arith.addi %add3A_151, %add3A_182 : i32
      %broadcast_in_dim3A_184 = vector.broadcast %add3A_183 : i32 to vector<16xi32>
      %add3A_185 = arith.constant 11 : i32
      %add3A_186 = arith.addi %add3A_151, %add3A_185 : i32
      %broadcast_in_dim3A_187 = vector.broadcast %add3A_186 : i32 to vector<16xi32>
      %add3A_188 = arith.constant 12 : i32
      %add3A_189 = arith.addi %add3A_151, %add3A_188 : i32
      %broadcast_in_dim3A_190 = vector.broadcast %add3A_189 : i32 to vector<16xi32>
      %add3A_191 = arith.constant 13 : i32
      %add3A_192 = arith.addi %add3A_151, %add3A_191 : i32
      %broadcast_in_dim3A_193 = vector.broadcast %add3A_192 : i32 to vector<16xi32>
      %add3A_194 = arith.constant 14 : i32
      %add3A_195 = arith.addi %add3A_151, %add3A_194 : i32
      %broadcast_in_dim3A_196 = vector.broadcast %add3A_195 : i32 to vector<16xi32>
      %add3A_197 = arith.constant 15 : i32
      %add3A_198 = arith.addi %add3A_151, %add3A_197 : i32
      %broadcast_in_dim3A_199 = vector.broadcast %add3A_198 : i32 to vector<16xi32>
      %scan3A_200 = arith.constant 0 : i32
      %scan3A_201 = arith.constant 0 : i32
      %scan3A_202 = arith.constant 64 : i32
      %scan3A_203 = arith.addi %scan3A_201, %scan3A_202 : i32
      %scan3A_204 = arith.constant 1 : i32
      scf.for %scan3A_310 = %scan3A_201 to %scan3A_203 step %scan3A_204  : i32 {
        %mul3A_311 = arith.constant 16 : i32
        %mul3A_312 = arith.muli %scan3A_310, %mul3A_311 : i32
        %get3A = arith.index_cast %mul3A_312 : i32 to index
        %get3A_313 = tpu.vector_load %arg5[%get3A] {strides = array<i32>} : memref<1024xi32, #tpu.memory_space<vmem>>, vector<16xi32>,
        %get3A_314 = vector.shape_cast %get3A_313 : vector<16xi32> to vector<16xi32>
        %eq3A = arith.cmpi eq, %get3A_314, %broadcast_in_dim3A_154 : vector<16xi32>
        %get3A_315 = arith.constant 0 : i32
        %get3A_316 = arith.index_cast %get3A_315 : i32 to index
        %get3A_317 = arith.index_cast %mul3A_312 : i32 to index
        %get3A_318 = tpu.vector_load %arg7[%get3A_316, %get3A_317] {strides = array<i32>} : memref<16x1024xf32, #tpu.memory_space<vmem>>, vector<1x16xf32>,
        %get3A_319 = vector.shape_cast %get3A_318 : vector<1x16xf32> to vector<16xf32>
        %jit3A = arith.constant 4.000000e-01 : f32
        %jit3A_320 = arith.constant 0.000000e+00 : f32
        %broadcast_in_dim3A_321 = vector.broadcast %jit3A : f32 to vector<16xf32>
        %broadcast_in_dim3A_322 = vector.broadcast %jit3A_320 : f32 to vector<16xf32>
        %select_n3A = arith.select %eq3A, %broadcast_in_dim3A_321, %broadcast_in_dim3A_322 : vector<16xi1>, vector<16xf32>
        %sub3A = arith.subf %get3A_319, %select_n3A : vector<16xf32>
        %mul3A_323 = arith.constant 6.400000e+01 : f32
        %mul3A_324 = vector.broadcast %mul3A_323 : f32 to vector<16xf32>
        %mul3A_325 = arith.mulf %sub3A, %mul3A_324 : vector<16xf32>
        %swap3A = arith.constant 0 : i32
        %swap3A_326 = arith.index_cast %swap3A : i32 to index
        %swap3A_327 = arith.index_cast %mul3A_312 : i32 to index
        %swap3A_328 = tpu.vector_load %arg10[%swap3A_326, %swap3A_327] {strides = array<i32>} : memref<16x1024xf32, #tpu.memory_space<vmem>>, vector<1x16xf32>,
        %swap3A_329 = vector.shape_cast %swap3A_328 : vector<1x16xf32> to vector<16xf32>
        %swap3A_330 = vector.shape_cast %mul3A_325 : vector<16xf32> to vector<1x16xf32>
        tpu.vector_store %arg10[%swap3A_326, %swap3A_327], %swap3A_330 {strides = array<i32>} : memref<16x1024xf32, #tpu.memory_space<vmem>>, vector<1x16xf32>,
        %eq3A_331 = arith.cmpi eq, %get3A_314, %broadcast_in_dim3A_157 : vector<16xi32>
        %get3A_332 = arith.constant 1 : i32
        %get3A_333 = arith.index_cast %get3A_332 : i32 to index
        %get3A_334 = arith.index_cast %mul3A_312 : i32 to index
        %get3A_335 = tpu.vector_load %arg7[%get3A_333, %get3A_334] {strides = array<i32>} : memref<16x1024xf32, #tpu.memory_space<vmem>>, vector<1x16xf32>,
        %get3A_336 = vector.shape_cast %get3A_335 : vector<1x16xf32> to vector<16xf32>
        %jit3A_337 = arith.constant 4.000000e-01 : f32
        %jit3A_338 = arith.constant 0.000000e+00 : f32
        %broadcast_in_dim3A_339 = vector.broadcast %jit3A_337 : f32 to vector<16xf32>
        %broadcast_in_dim3A_340 = vector.broadcast %jit3A_338 : f32 to vector<16xf32>
        %select_n3A_341 = arith.select %eq3A_331, %broadcast_in_dim3A_339, %broadcast_in_dim3A_340 : vector<16xi1>, vector<16xf32>
        %sub3A_342 = arith.subf %get3A_336, %select_n3A_341 : vector<16xf32>
        %mul3A_343 = arith.constant 6.400000e+01 : f32
        %mul3A_344 = vector.broadcast %mul3A_343 : f32 to vector<16xf32>
        %mul3A_345 = arith.mulf %sub3A_342, %mul3A_344 : vector<16xf32>
        %swap3A_346 = arith.constant 1 : i32
        %swap3A_347 = arith.index_cast %swap3A_346 : i32 to index
        %swap3A_348 = arith.index_cast %mul3A_312 : i32 to index
        %swap3A_349 = tpu.vector_load %arg10[%swap3A_347, %swap3A_348] {strides = array<i32>} : memref<16x1024xf32, #tpu.memory_space<vmem>>, vector<1x16xf32>,
        %swap3A_350 = vector.shape_cast %swap3A_349 : vector<1x16xf32> to vector<16xf32>
        %swap3A_351 = vector.shape_cast %mul3A_345 : vector<16xf32> to vector<1x16xf32>
        tpu.vector_store %arg10[%swap3A_347, %swap3A_348], %swap3A_351 {strides = array<i32>} : memref<16x1024xf32, #tpu.memory_space<vmem>>, vector<1x16xf32>,
        %eq3A_352 = arith.cmpi eq, %get3A_314, %broadcast_in_dim3A_160 : vector<16xi32>
        %get3A_353 = arith.constant 2 : i32
        %get3A_354 = arith.index_cast %get3A_353 : i32 to index
        %get3A_355 = arith.index_cast %mul3A_312 : i32 to index
        %get3A_356 = tpu.vector_load %arg7[%get3A_354, %get3A_355] {strides = array<i32>} : memref<16x1024xf32, #tpu.memory_space<vmem>>, vector<1x16xf32>,
        %get3A_357 = vector.shape_cast %get3A_356 : vector<1x16xf32> to vector<16xf32>
        %jit3A_358 = arith.constant 4.000000e-01 : f32
        %jit3A_359 = arith.constant 0.000000e+00 : f32
        %broadcast_in_dim3A_360 = vector.broadcast %jit3A_358 : f32 to vector<16xf32>
        %broadcast_in_dim3A_361 = vector.broadcast %jit3A_359 : f32 to vector<16xf32>
        %select_n3A_362 = arith.select %eq3A_352, %broadcast_in_dim3A_360, %broadcast_in_dim3A_361 : vector<16xi1>, vector<16xf32>
        %sub3A_363 = arith.subf %get3A_357, %select_n3A_362 : vector<16xf32>
        %mul3A_364 = arith.constant 6.400000e+01 : f32
        %mul3A_365 = vector.broadcast %mul3A_364 : f32 to vector<16xf32>
        %mul3A_366 = arith.mulf %sub3A_363, %mul3A_365 : vector<16xf32>
        %swap3A_367 = arith.constant 2 : i32
        %swap3A_368 = arith.index_cast %swap3A_367 : i32 to index
        %swap3A_369 = arith.index_cast %mul3A_312 : i32 to index
        %swap3A_370 = tpu.vector_load %arg10[%swap3A_368, %swap3A_369] {strides = array<i32>} : memref<16x1024xf32, #tpu.memory_space<vmem>>, vector<1x16xf32>,
        %swap3A_371 = vector.shape_cast %swap3A_370 : vector<1x16xf32> to vector<16xf32>
        %swap3A_372 = vector.shape_cast %mul3A_366 : vector<16xf32> to vector<1x16xf32>
        tpu.vector_store %arg10[%swap3A_368, %swap3A_369], %swap3A_372 {strides = array<i32>} : memref<16x1024xf32, #tpu.memory_space<vmem>>, vector<1x16xf32>,
        %eq3A_373 = arith.cmpi eq, %get3A_314, %broadcast_in_dim3A_163 : vector<16xi32>
        %get3A_374 = arith.constant 3 : i32
        %get3A_375 = arith.index_cast %get3A_374 : i32 to index
        %get3A_376 = arith.index_cast %mul3A_312 : i32 to index
        %get3A_377 = tpu.vector_load %arg7[%get3A_375, %get3A_376] {strides = array<i32>} : memref<16x1024xf32, #tpu.memory_space<vmem>>, vector<1x16xf32>,
        %get3A_378 = vector.shape_cast %get3A_377 : vector<1x16xf32> to vector<16xf32>
        %jit3A_379 = arith.constant 4.000000e-01 : f32
        %jit3A_380 = arith.constant 0.000000e+00 : f32
        %broadcast_in_dim3A_381 = vector.broadcast %jit3A_379 : f32 to vector<16xf32>
        %broadcast_in_dim3A_382 = vector.broadcast %jit3A_380 : f32 to vector<16xf32>
        %select_n3A_383 = arith.select %eq3A_373, %broadcast_in_dim3A_381, %broadcast_in_dim3A_382 : vector<16xi1>, vector<16xf32>
        %sub3A_384 = arith.subf %get3A_378, %select_n3A_383 : vector<16xf32>
        %mul3A_385 = arith.constant 6.400000e+01 : f32
        %mul3A_386 = vector.broadcast %mul3A_385 : f32 to vector<16xf32>
        %mul3A_387 = arith.mulf %sub3A_384, %mul3A_386 : vector<16xf32>
        %swap3A_388 = arith.constant 3 : i32
        %swap3A_389 = arith.index_cast %swap3A_388 : i32 to index
        %swap3A_390 = arith.index_cast %mul3A_312 : i32 to index
        %swap3A_391 = tpu.vector_load %arg10[%swap3A_389, %swap3A_390] {strides = array<i32>} : memref<16x1024xf32, #tpu.memory_space<vmem>>, vector<1x16xf32>,
        %swap3A_392 = vector.shape_cast %swap3A_391 : vector<1x16xf32> to vector<16xf32>
        %swap3A_393 = vector.shape_cast %mul3A_387 : vector<16xf32> to vector<1x16xf32>
        tpu.vector_store %arg10[%swap3A_389, %swap3A_390], %swap3A_393 {strides = array<i32>} : memref<16x1024xf32, #tpu.memory_space<vmem>>, vector<1x16xf32>,
        %eq3A_394 = arith.cmpi eq, %get3A_314, %broadcast_in_dim3A_166 : vector<16xi32>
        %get3A_395 = arith.constant 4 : i32
        %get3A_396 = arith.index_cast %get3A_395 : i32 to index
        %get3A_397 = arith.index_cast %mul3A_312 : i32 to index
        %get3A_398 = tpu.vector_load %arg7[%get3A_396, %get3A_397] {strides = array<i32>} : memref<16x1024xf32, #tpu.memory_space<vmem>>, vector<1x16xf32>,
        %get3A_399 = vector.shape_cast %get3A_398 : vector<1x16xf32> to vector<16xf32>
        %jit3A_400 = arith.constant 4.000000e-01 : f32
        %jit3A_401 = arith.constant 0.000000e+00 : f32
        %broadcast_in_dim3A_402 = vector.broadcast %jit3A_400 : f32 to vector<16xf32>
        %broadcast_in_dim3A_403 = vector.broadcast %jit3A_401 : f32 to vector<16xf32>
        %select_n3A_404 = arith.select %eq3A_394, %broadcast_in_dim3A_402, %broadcast_in_dim3A_403 : vector<16xi1>, vector<16xf32>
        %sub3A_405 = arith.subf %get3A_399, %select_n3A_404 : vector<16xf32>
        %mul3A_406 = arith.constant 6.400000e+01 : f32
        %mul3A_407 = vector.broadcast %mul3A_406 : f32 to vector<16xf32>
        %mul3A_408 = arith.mulf %sub3A_405, %mul3A_407 : vector<16xf32>
        %swap3A_409 = arith.constant 4 : i32
        %swap3A_410 = arith.index_cast %swap3A_409 : i32 to index
        %swap3A_411 = arith.index_cast %mul3A_312 : i32 to index
        %swap3A_412 = tpu.vector_load %arg10[%swap3A_410, %swap3A_411] {strides = array<i32>} : memref<16x1024xf32, #tpu.memory_space<vmem>>, vector<1x16xf32>,
        %swap3A_413 = vector.shape_cast %swap3A_412 : vector<1x16xf32> to vector<16xf32>
        %swap3A_414 = vector.shape_cast %mul3A_408 : vector<16xf32> to vector<1x16xf32>
        tpu.vector_store %arg10[%swap3A_410, %swap3A_411], %swap3A_414 {strides = array<i32>} : memref<16x1024xf32, #tpu.memory_space<vmem>>, vector<1x16xf32>,
        %eq3A_415 = arith.cmpi eq, %get3A_314, %broadcast_in_dim3A_169 : vector<16xi32>
        %get3A_416 = arith.constant 5 : i32
        %get3A_417 = arith.index_cast %get3A_416 : i32 to index
        %get3A_418 = arith.index_cast %mul3A_312 : i32 to index
        %get3A_419 = tpu.vector_load %arg7[%get3A_417, %get3A_418] {strides = array<i32>} : memref<16x1024xf32, #tpu.memory_space<vmem>>, vector<1x16xf32>,
        %get3A_420 = vector.shape_cast %get3A_419 : vector<1x16xf32> to vector<16xf32>
        %jit3A_421 = arith.constant 4.000000e-01 : f32
        %jit3A_422 = arith.constant 0.000000e+00 : f32
        %broadcast_in_dim3A_423 = vector.broadcast %jit3A_421 : f32 to vector<16xf32>
        %broadcast_in_dim3A_424 = vector.broadcast %jit3A_422 : f32 to vector<16xf32>
        %select_n3A_425 = arith.select %eq3A_415, %broadcast_in_dim3A_423, %broadcast_in_dim3A_424 : vector<16xi1>, vector<16xf32>
        %sub3A_426 = arith.subf %get3A_420, %select_n3A_425 : vector<16xf32>
        %mul3A_427 = arith.constant 6.400000e+01 : f32
        %mul3A_428 = vector.broadcast %mul3A_427 : f32 to vector<16xf32>
        %mul3A_429 = arith.mulf %sub3A_426, %mul3A_428 : vector<16xf32>
        %swap3A_430 = arith.constant 5 : i32
        %swap3A_431 = arith.index_cast %swap3A_430 : i32 to index
        %swap3A_432 = arith.index_cast %mul3A_312 : i32 to index
        %swap3A_433 = tpu.vector_load %arg10[%swap3A_431, %swap3A_432] {strides = array<i32>} : memref<16x1024xf32, #tpu.memory_space<vmem>>, vector<1x16xf32>,
        %swap3A_434 = vector.shape_cast %swap3A_433 : vector<1x16xf32> to vector<16xf32>
        %swap3A_435 = vector.shape_cast %mul3A_429 : vector<16xf32> to vector<1x16xf32>
        tpu.vector_store %arg10[%swap3A_431, %swap3A_432], %swap3A_435 {strides = array<i32>} : memref<16x1024xf32, #tpu.memory_space<vmem>>, vector<1x16xf32>,
        %eq3A_436 = arith.cmpi eq, %get3A_314, %broadcast_in_dim3A_172 : vector<16xi32>
        %get3A_437 = arith.constant 6 : i32
        %get3A_438 = arith.index_cast %get3A_437 : i32 to index
        %get3A_439 = arith.index_cast %mul3A_312 : i32 to index
        %get3A_440 = tpu.vector_load %arg7[%get3A_438, %get3A_439] {strides = array<i32>} : memref<16x1024xf32, #tpu.memory_space<vmem>>, vector<1x16xf32>,
        %get3A_441 = vector.shape_cast %get3A_440 : vector<1x16xf32> to vector<16xf32>
        %jit3A_442 = arith.constant 4.000000e-01 : f32
        %jit3A_443 = arith.constant 0.000000e+00 : f32
        %broadcast_in_dim3A_444 = vector.broadcast %jit3A_442 : f32 to vector<16xf32>
        %broadcast_in_dim3A_445 = vector.broadcast %jit3A_443 : f32 to vector<16xf32>
        %select_n3A_446 = arith.select %eq3A_436, %broadcast_in_dim3A_444, %broadcast_in_dim3A_445 : vector<16xi1>, vector<16xf32>
        %sub3A_447 = arith.subf %get3A_441, %select_n3A_446 : vector<16xf32>
        %mul3A_448 = arith.constant 6.400000e+01 : f32
        %mul3A_449 = vector.broadcast %mul3A_448 : f32 to vector<16xf32>
        %mul3A_450 = arith.mulf %sub3A_447, %mul3A_449 : vector<16xf32>
        %swap3A_451 = arith.constant 6 : i32
        %swap3A_452 = arith.index_cast %swap3A_451 : i32 to index
        %swap3A_453 = arith.index_cast %mul3A_312 : i32 to index
        %swap3A_454 = tpu.vector_load %arg10[%swap3A_452, %swap3A_453] {strides = array<i32>} : memref<16x1024xf32, #tpu.memory_space<vmem>>, vector<1x16xf32>,
        %swap3A_455 = vector.shape_cast %swap3A_454 : vector<1x16xf32> to vector<16xf32>
        %swap3A_456 = vector.shape_cast %mul3A_450 : vector<16xf32> to vector<1x16xf32>
        tpu.vector_store %arg10[%swap3A_452, %swap3A_453], %swap3A_456 {strides = array<i32>} : memref<16x1024xf32, #tpu.memory_space<vmem>>, vector<1x16xf32>,
        %eq3A_457 = arith.cmpi eq, %get3A_314, %broadcast_in_dim3A_175 : vector<16xi32>
        %get3A_458 = arith.constant 7 : i32
        %get3A_459 = arith.index_cast %get3A_458 : i32 to index
        %get3A_460 = arith.index_cast %mul3A_312 : i32 to index
        %get3A_461 = tpu.vector_load %arg7[%get3A_459, %get3A_460] {strides = array<i32>} : memref<16x1024xf32, #tpu.memory_space<vmem>>, vector<1x16xf32>,
        %get3A_462 = vector.shape_cast %get3A_461 : vector<1x16xf32> to vector<16xf32>
        %jit3A_463 = arith.constant 4.000000e-01 : f32
        %jit3A_464 = arith.constant 0.000000e+00 : f32
        %broadcast_in_dim3A_465 = vector.broadcast %jit3A_463 : f32 to vector<16xf32>
        %broadcast_in_dim3A_466 = vector.broadcast %jit3A_464 : f32 to vector<16xf32>
        %select_n3A_467 = arith.select %eq3A_457, %broadcast_in_dim3A_465, %broadcast_in_dim3A_466 : vector<16xi1>, vector<16xf32>
        %sub3A_468 = arith.subf %get3A_462, %select_n3A_467 : vector<16xf32>
        %mul3A_469 = arith.constant 6.400000e+01 : f32
        %mul3A_470 = vector.broadcast %mul3A_469 : f32 to vector<16xf32>
        %mul3A_471 = arith.mulf %sub3A_468, %mul3A_470 : vector<16xf32>
        %swap3A_472 = arith.constant 7 : i32
        %swap3A_473 = arith.index_cast %swap3A_472 : i32 to index
        %swap3A_474 = arith.index_cast %mul3A_312 : i32 to index
        %swap3A_475 = tpu.vector_load %arg10[%swap3A_473, %swap3A_474] {strides = array<i32>} : memref<16x1024xf32, #tpu.memory_space<vmem>>, vector<1x16xf32>,
        %swap3A_476 = vector.shape_cast %swap3A_475 : vector<1x16xf32> to vector<16xf32>
        %swap3A_477 = vector.shape_cast %mul3A_471 : vector<16xf32> to vector<1x16xf32>
        tpu.vector_store %arg10[%swap3A_473, %swap3A_474], %swap3A_477 {strides = array<i32>} : memref<16x1024xf32, #tpu.memory_space<vmem>>, vector<1x16xf32>,
        %eq3A_478 = arith.cmpi eq, %get3A_314, %broadcast_in_dim3A_178 : vector<16xi32>
        %get3A_479 = arith.constant 8 : i32
        %get3A_480 = arith.index_cast %get3A_479 : i32 to index
        %get3A_481 = arith.index_cast %mul3A_312 : i32 to index
        %get3A_482 = tpu.vector_load %arg7[%get3A_480, %get3A_481] {strides = array<i32>} : memref<16x1024xf32, #tpu.memory_space<vmem>>, vector<1x16xf32>,
        %get3A_483 = vector.shape_cast %get3A_482 : vector<1x16xf32> to vector<16xf32>
        %jit3A_484 = arith.constant 4.000000e-01 : f32
        %jit3A_485 = arith.constant 0.000000e+00 : f32
        %broadcast_in_dim3A_486 = vector.broadcast %jit3A_484 : f32 to vector<16xf32>
        %broadcast_in_dim3A_487 = vector.broadcast %jit3A_485 : f32 to vector<16xf32>
        %select_n3A_488 = arith.select %eq3A_478, %broadcast_in_dim3A_486, %broadcast_in_dim3A_487 : vector<16xi1>, vector<16xf32>
        %sub3A_489 = arith.subf %get3A_483, %select_n3A_488 : vector<16xf32>
        %mul3A_490 = arith.constant 6.400000e+01 : f32
        %mul3A_491 = vector.broadcast %mul3A_490 : f32 to vector<16xf32>
        %mul3A_492 = arith.mulf %sub3A_489, %mul3A_491 : vector<16xf32>
        %swap3A_493 = arith.constant 8 : i32
        %swap3A_494 = arith.index_cast %swap3A_493 : i32 to index
        %swap3A_495 = arith.index_cast %mul3A_312 : i32 to index
        %swap3A_496 = tpu.vector_load %arg10[%swap3A_494, %swap3A_495] {strides = array<i32>} : memref<16x1024xf32, #tpu.memory_space<vmem>>, vector<1x16xf32>,
        %swap3A_497 = vector.shape_cast %swap3A_496 : vector<1x16xf32> to vector<16xf32>
        %swap3A_498 = vector.shape_cast %mul3A_492 : vector<16xf32> to vector<1x16xf32>
        tpu.vector_store %arg10[%swap3A_494, %swap3A_495], %swap3A_498 {strides = array<i32>} : memref<16x1024xf32, #tpu.memory_space<vmem>>, vector<1x16xf32>,
        %eq3A_499 = arith.cmpi eq, %get3A_314, %broadcast_in_dim3A_181 : vector<16xi32>
        %get3A_500 = arith.constant 9 : i32
        %get3A_501 = arith.index_cast %get3A_500 : i32 to index
        %get3A_502 = arith.index_cast %mul3A_312 : i32 to index
        %get3A_503 = tpu.vector_load %arg7[%get3A_501, %get3A_502] {strides = array<i32>} : memref<16x1024xf32, #tpu.memory_space<vmem>>, vector<1x16xf32>,
        %get3A_504 = vector.shape_cast %get3A_503 : vector<1x16xf32> to vector<16xf32>
        %jit3A_505 = arith.constant 4.000000e-01 : f32
        %jit3A_506 = arith.constant 0.000000e+00 : f32
        %broadcast_in_dim3A_507 = vector.broadcast %jit3A_505 : f32 to vector<16xf32>
        %broadcast_in_dim3A_508 = vector.broadcast %jit3A_506 : f32 to vector<16xf32>
        %select_n3A_509 = arith.select %eq3A_499, %broadcast_in_dim3A_507, %broadcast_in_dim3A_508 : vector<16xi1>, vector<16xf32>
        %sub3A_510 = arith.subf %get3A_504, %select_n3A_509 : vector<16xf32>
        %mul3A_511 = arith.constant 6.400000e+01 : f32
        %mul3A_512 = vector.broadcast %mul3A_511 : f32 to vector<16xf32>
        %mul3A_513 = arith.mulf %sub3A_510, %mul3A_512 : vector<16xf32>
        %swap3A_514 = arith.constant 9 : i32
        %swap3A_515 = arith.index_cast %swap3A_514 : i32 to index
        %swap3A_516 = arith.index_cast %mul3A_312 : i32 to index
        %swap3A_517 = tpu.vector_load %arg10[%swap3A_515, %swap3A_516] {strides = array<i32>} : memref<16x1024xf32, #tpu.memory_space<vmem>>, vector<1x16xf32>,
        %swap3A_518 = vector.shape_cast %swap3A_517 : vector<1x16xf32> to vector<16xf32>
        %swap3A_519 = vector.shape_cast %mul3A_513 : vector<16xf32> to vector<1x16xf32>
        tpu.vector_store %arg10[%swap3A_515, %swap3A_516], %swap3A_519 {strides = array<i32>} : memref<16x1024xf32, #tpu.memory_space<vmem>>, vector<1x16xf32>,
        %eq3A_520 = arith.cmpi eq, %get3A_314, %broadcast_in_dim3A_184 : vector<16xi32>
        %get3A_521 = arith.constant 10 : i32
        %get3A_522 = arith.index_cast %get3A_521 : i32 to index
        %get3A_523 = arith.index_cast %mul3A_312 : i32 to index
        %get3A_524 = tpu.vector_load %arg7[%get3A_522, %get3A_523] {strides = array<i32>} : memref<16x1024xf32, #tpu.memory_space<vmem>>, vector<1x16xf32>,
        %get3A_525 = vector.shape_cast %get3A_524 : vector<1x16xf32> to vector<16xf32>
        %jit3A_526 = arith.constant 4.000000e-01 : f32
        %jit3A_527 = arith.constant 0.000000e+00 : f32
        %broadcast_in_dim3A_528 = vector.broadcast %jit3A_526 : f32 to vector<16xf32>
        %broadcast_in_dim3A_529 = vector.broadcast %jit3A_527 : f32 to vector<16xf32>
        %select_n3A_530 = arith.select %eq3A_520, %broadcast_in_dim3A_528, %broadcast_in_dim3A_529 : vector<16xi1>, vector<16xf32>
        %sub3A_531 = arith.subf %get3A_525, %select_n3A_530 : vector<16xf32>
        %mul3A_532 = arith.constant 6.400000e+01 : f32
        %mul3A_533 = vector.broadcast %mul3A_532 : f32 to vector<16xf32>
        %mul3A_534 = arith.mulf %sub3A_531, %mul3A_533 : vector<16xf32>
        %swap3A_535 = arith.constant 10 : i32
        %swap3A_536 = arith.index_cast %swap3A_535 : i32 to index
        %swap3A_537 = arith.index_cast %mul3A_312 : i32 to index
        %swap3A_538 = tpu.vector_load %arg10[%swap3A_536, %swap3A_537] {strides = array<i32>} : memref<16x1024xf32, #tpu.memory_space<vmem>>, vector<1x16xf32>,
        %swap3A_539 = vector.shape_cast %swap3A_538 : vector<1x16xf32> to vector<16xf32>
        %swap3A_540 = vector.shape_cast %mul3A_534 : vector<16xf32> to vector<1x16xf32>
        tpu.vector_store %arg10[%swap3A_536, %swap3A_537], %swap3A_540 {strides = array<i32>} : memref<16x1024xf32, #tpu.memory_space<vmem>>, vector<1x16xf32>,
        %eq3A_541 = arith.cmpi eq, %get3A_314, %broadcast_in_dim3A_187 : vector<16xi32>
        %get3A_542 = arith.constant 11 : i32
        %get3A_543 = arith.index_cast %get3A_542 : i32 to index
        %get3A_544 = arith.index_cast %mul3A_312 : i32 to index
        %get3A_545 = tpu.vector_load %arg7[%get3A_543, %get3A_544] {strides = array<i32>} : memref<16x1024xf32, #tpu.memory_space<vmem>>, vector<1x16xf32>,
        %get3A_546 = vector.shape_cast %get3A_545 : vector<1x16xf32> to vector<16xf32>
        %jit3A_547 = arith.constant 4.000000e-01 : f32
        %jit3A_548 = arith.constant 0.000000e+00 : f32
        %broadcast_in_dim3A_549 = vector.broadcast %jit3A_547 : f32 to vector<16xf32>
        %broadcast_in_dim3A_550 = vector.broadcast %jit3A_548 : f32 to vector<16xf32>
        %select_n3A_551 = arith.select %eq3A_541, %broadcast_in_dim3A_549, %broadcast_in_dim3A_550 : vector<16xi1>, vector<16xf32>
        %sub3A_552 = arith.subf %get3A_546, %select_n3A_551 : vector<16xf32>
        %mul3A_553 = arith.constant 6.400000e+01 : f32
        %mul3A_554 = vector.broadcast %mul3A_553 : f32 to vector<16xf32>
        %mul3A_555 = arith.mulf %sub3A_552, %mul3A_554 : vector<16xf32>
        %swap3A_556 = arith.constant 11 : i32
        %swap3A_557 = arith.index_cast %swap3A_556 : i32 to index
        %swap3A_558 = arith.index_cast %mul3A_312 : i32 to index
        %swap3A_559 = tpu.vector_load %arg10[%swap3A_557, %swap3A_558] {strides = array<i32>} : memref<16x1024xf32, #tpu.memory_space<vmem>>, vector<1x16xf32>,
        %swap3A_560 = vector.shape_cast %swap3A_559 : vector<1x16xf32> to vector<16xf32>
        %swap3A_561 = vector.shape_cast %mul3A_555 : vector<16xf32> to vector<1x16xf32>
        tpu.vector_store %arg10[%swap3A_557, %swap3A_558], %swap3A_561 {strides = array<i32>} : memref<16x1024xf32, #tpu.memory_space<vmem>>, vector<1x16xf32>,
        %eq3A_562 = arith.cmpi eq, %get3A_314, %broadcast_in_dim3A_190 : vector<16xi32>
        %get3A_563 = arith.constant 12 : i32
        %get3A_564 = arith.index_cast %get3A_563 : i32 to index
        %get3A_565 = arith.index_cast %mul3A_312 : i32 to index
        %get3A_566 = tpu.vector_load %arg7[%get3A_564, %get3A_565] {strides = array<i32>} : memref<16x1024xf32, #tpu.memory_space<vmem>>, vector<1x16xf32>,
        %get3A_567 = vector.shape_cast %get3A_566 : vector<1x16xf32> to vector<16xf32>
        %jit3A_568 = arith.constant 4.000000e-01 : f32
        %jit3A_569 = arith.constant 0.000000e+00 : f32
        %broadcast_in_dim3A_570 = vector.broadcast %jit3A_568 : f32 to vector<16xf32>
        %broadcast_in_dim3A_571 = vector.broadcast %jit3A_569 : f32 to vector<16xf32>
        %select_n3A_572 = arith.select %eq3A_562, %broadcast_in_dim3A_570, %broadcast_in_dim3A_571 : vector<16xi1>, vector<16xf32>
        %sub3A_573 = arith.subf %get3A_567, %select_n3A_572 : vector<16xf32>
        %mul3A_574 = arith.constant 6.400000e+01 : f32
        %mul3A_575 = vector.broadcast %mul3A_574 : f32 to vector<16xf32>
        %mul3A_576 = arith.mulf %sub3A_573, %mul3A_575 : vector<16xf32>
        %swap3A_577 = arith.constant 12 : i32
        %swap3A_578 = arith.index_cast %swap3A_577 : i32 to index
        %swap3A_579 = arith.index_cast %mul3A_312 : i32 to index
        %swap3A_580 = tpu.vector_load %arg10[%swap3A_578, %swap3A_579] {strides = array<i32>} : memref<16x1024xf32, #tpu.memory_space<vmem>>, vector<1x16xf32>,
        %swap3A_581 = vector.shape_cast %swap3A_580 : vector<1x16xf32> to vector<16xf32>
        %swap3A_582 = vector.shape_cast %mul3A_576 : vector<16xf32> to vector<1x16xf32>
        tpu.vector_store %arg10[%swap3A_578, %swap3A_579], %swap3A_582 {strides = array<i32>} : memref<16x1024xf32, #tpu.memory_space<vmem>>, vector<1x16xf32>,
        %eq3A_583 = arith.cmpi eq, %get3A_314, %broadcast_in_dim3A_193 : vector<16xi32>
        %get3A_584 = arith.constant 13 : i32
        %get3A_585 = arith.index_cast %get3A_584 : i32 to index
        %get3A_586 = arith.index_cast %mul3A_312 : i32 to index
        %get3A_587 = tpu.vector_load %arg7[%get3A_585, %get3A_586] {strides = array<i32>} : memref<16x1024xf32, #tpu.memory_space<vmem>>, vector<1x16xf32>,
        %get3A_588 = vector.shape_cast %get3A_587 : vector<1x16xf32> to vector<16xf32>
        %jit3A_589 = arith.constant 4.000000e-01 : f32
        %jit3A_590 = arith.constant 0.000000e+00 : f32
        %broadcast_in_dim3A_591 = vector.broadcast %jit3A_589 : f32 to vector<16xf32>
        %broadcast_in_dim3A_592 = vector.broadcast %jit3A_590 : f32 to vector<16xf32>
        %select_n3A_593 = arith.select %eq3A_583, %broadcast_in_dim3A_591, %broadcast_in_dim3A_592 : vector<16xi1>, vector<16xf32>
        %sub3A_594 = arith.subf %get3A_588, %select_n3A_593 : vector<16xf32>
        %mul3A_595 = arith.constant 6.400000e+01 : f32
        %mul3A_596 = vector.broadcast %mul3A_595 : f32 to vector<16xf32>
        %mul3A_597 = arith.mulf %sub3A_594, %mul3A_596 : vector<16xf32>
        %swap3A_598 = arith.constant 13 : i32
        %swap3A_599 = arith.index_cast %swap3A_598 : i32 to index
        %swap3A_600 = arith.index_cast %mul3A_312 : i32 to index
        %swap3A_601 = tpu.vector_load %arg10[%swap3A_599, %swap3A_600] {strides = array<i32>} : memref<16x1024xf32, #tpu.memory_space<vmem>>, vector<1x16xf32>,
        %swap3A_602 = vector.shape_cast %swap3A_601 : vector<1x16xf32> to vector<16xf32>
        %swap3A_603 = vector.shape_cast %mul3A_597 : vector<16xf32> to vector<1x16xf32>
        tpu.vector_store %arg10[%swap3A_599, %swap3A_600], %swap3A_603 {strides = array<i32>} : memref<16x1024xf32, #tpu.memory_space<vmem>>, vector<1x16xf32>,
        %eq3A_604 = arith.cmpi eq, %get3A_314, %broadcast_in_dim3A_196 : vector<16xi32>
        %get3A_605 = arith.constant 14 : i32
        %get3A_606 = arith.index_cast %get3A_605 : i32 to index
        %get3A_607 = arith.index_cast %mul3A_312 : i32 to index
        %get3A_608 = tpu.vector_load %arg7[%get3A_606, %get3A_607] {strides = array<i32>} : memref<16x1024xf32, #tpu.memory_space<vmem>>, vector<1x16xf32>,
        %get3A_609 = vector.shape_cast %get3A_608 : vector<1x16xf32> to vector<16xf32>
        %jit3A_610 = arith.constant 4.000000e-01 : f32
        %jit3A_611 = arith.constant 0.000000e+00 : f32
        %broadcast_in_dim3A_612 = vector.broadcast %jit3A_610 : f32 to vector<16xf32>
        %broadcast_in_dim3A_613 = vector.broadcast %jit3A_611 : f32 to vector<16xf32>
        %select_n3A_614 = arith.select %eq3A_604, %broadcast_in_dim3A_612, %broadcast_in_dim3A_613 : vector<16xi1>, vector<16xf32>
        %sub3A_615 = arith.subf %get3A_609, %select_n3A_614 : vector<16xf32>
        %mul3A_616 = arith.constant 6.400000e+01 : f32
        %mul3A_617 = vector.broadcast %mul3A_616 : f32 to vector<16xf32>
        %mul3A_618 = arith.mulf %sub3A_615, %mul3A_617 : vector<16xf32>
        %swap3A_619 = arith.constant 14 : i32
        %swap3A_620 = arith.index_cast %swap3A_619 : i32 to index
        %swap3A_621 = arith.index_cast %mul3A_312 : i32 to index
        %swap3A_622 = tpu.vector_load %arg10[%swap3A_620, %swap3A_621] {strides = array<i32>} : memref<16x1024xf32, #tpu.memory_space<vmem>>, vector<1x16xf32>,
        %swap3A_623 = vector.shape_cast %swap3A_622 : vector<1x16xf32> to vector<16xf32>
        %swap3A_624 = vector.shape_cast %mul3A_618 : vector<16xf32> to vector<1x16xf32>
        tpu.vector_store %arg10[%swap3A_620, %swap3A_621], %swap3A_624 {strides = array<i32>} : memref<16x1024xf32, #tpu.memory_space<vmem>>, vector<1x16xf32>,
        %eq3A_625 = arith.cmpi eq, %get3A_314, %broadcast_in_dim3A_199 : vector<16xi32>
        %get3A_626 = arith.constant 15 : i32
        %get3A_627 = arith.index_cast %get3A_626 : i32 to index
        %get3A_628 = arith.index_cast %mul3A_312 : i32 to index
        %get3A_629 = tpu.vector_load %arg7[%get3A_627, %get3A_628] {strides = array<i32>} : memref<16x1024xf32, #tpu.memory_space<vmem>>, vector<1x16xf32>,
        %get3A_630 = vector.shape_cast %get3A_629 : vector<1x16xf32> to vector<16xf32>
        %jit3A_631 = arith.constant 4.000000e-01 : f32
        %jit3A_632 = arith.constant 0.000000e+00 : f32
        %broadcast_in_dim3A_633 = vector.broadcast %jit3A_631 : f32 to vector<16xf32>
        %broadcast_in_dim3A_634 = vector.broadcast %jit3A_632 : f32 to vector<16xf32>
        %select_n3A_635 = arith.select %eq3A_625, %broadcast_in_dim3A_633, %broadcast_in_dim3A_634 : vector<16xi1>, vector<16xf32>
        %sub3A_636 = arith.subf %get3A_630, %select_n3A_635 : vector<16xf32>
        %mul3A_637 = arith.constant 6.400000e+01 : f32
        %mul3A_638 = vector.broadcast %mul3A_637 : f32 to vector<16xf32>
        %mul3A_639 = arith.mulf %sub3A_636, %mul3A_638 : vector<16xf32>
        %swap3A_640 = arith.constant 15 : i32
        %swap3A_641 = arith.index_cast %swap3A_640 : i32 to index
        %swap3A_642 = arith.index_cast %mul3A_312 : i32 to index
        %swap3A_643 = tpu.vector_load %arg10[%swap3A_641, %swap3A_642] {strides = array<i32>} : memref<16x1024xf32, #tpu.memory_space<vmem>>, vector<1x16xf32>,
        %swap3A_644 = vector.shape_cast %swap3A_643 : vector<1x16xf32> to vector<16xf32>
        %swap3A_645 = vector.shape_cast %mul3A_639 : vector<16xf32> to vector<1x16xf32>
        tpu.vector_store %arg10[%swap3A_641, %swap3A_642], %swap3A_645 {strides = array<i32>} : memref<16x1024xf32, #tpu.memory_space<vmem>>, vector<1x16xf32>,
      }
      %scan3A_205 = arith.constant 64 : i32
      %mul3A_206 = arith.constant 16 : i32
      %mul3A_207 = arith.muli %add3A_135, %mul3A_206 : i32
      %add3A_208 = arith.addi %mul3A_2, %mul3A_207 : i32
      %multiple_of3A_209 = tpu.assume_multiple %add3A_208, 8 : i32
      %dma_start3A_210 = arith.constant 0 : i32
      %dma_start3A_211 = tpu.memref_slice %arg4[%multiple_of3A_209, %dma_start3A_210] : memref<100000x1024xf32, #tpu.memory_space<hbm>> -> memref<16x1024xf32, #tpu.memory_space<hbm>>
      %dma_start3A_212 = arith.constant 0 : i32
      %dma_start3A_213 = tpu.memref_slice %arg4[%multiple_of3A_209, %dma_start3A_212] : memref<100000x1024xf32, #tpu.memory_space<hbm>> -> memref<16x1024xf32, #tpu.memory_space<hbm>>
      tpu.enqueue_dma source(%arg10 : memref<16x1024xf32, #tpu.memory_space<vmem>>) target(%dma_start3A_213 : memref<16x1024xf32, #tpu.memory_space<hbm>>) target_semaphore(%arg16 : memref<!tpu.dma_semaphore, #tpu.memory_space<semaphore_mem>>)
      %add3A_214 = arith.constant 3 : i32
      %add3A_215 = arith.addi %add3A_135, %add3A_214 : i32
      %lt3A_216 = arith.constant 195 : i32
      %lt3A_217 = arith.cmpi slt, %add3A_215, %lt3A_216 : i32
      %convert_element_type3A_218 = arith.extui %lt3A_217 : i1 to i32
      %cond3A_219 = arith.constant 0 : i32
      %cond3A_220 = arith.cmpi ne, %convert_element_type3A_218, %cond3A_219 : i32
      scf.if %cond3A_220 {
        %add3A_310 = arith.constant 3 : i32
        %add3A_311 = arith.addi %add3A_135, %add3A_310 : i32
        %mul3A_312 = arith.constant 16 : i32
        %mul3A_313 = arith.muli %add3A_311, %mul3A_312 : i32
        %add3A_314 = arith.addi %mul3A_2, %mul3A_313 : i32
        %multiple_of3A_315 = tpu.assume_multiple %add3A_314, 8 : i32
        %dma_start3A_316 = arith.constant 0 : i32
        %dma_start3A_317 = tpu.memref_slice %arg2[%multiple_of3A_315, %dma_start3A_316] : memref<100000x1024xf32, #tpu.memory_space<hbm>> -> memref<16x1024xf32, #tpu.memory_space<hbm>>
        %dma_start3A_318 = arith.constant 0 : i32
        %dma_start3A_319 = tpu.memref_slice %arg2[%multiple_of3A_315, %dma_start3A_318] : memref<100000x1024xf32, #tpu.memory_space<hbm>> -> memref<16x1024xf32, #tpu.memory_space<hbm>>
        tpu.enqueue_dma source(%dma_start3A_319 : memref<16x1024xf32, #tpu.memory_space<hbm>>) target(%arg7 : memref<16x1024xf32, #tpu.memory_space<vmem>>) target_semaphore(%arg13 : memref<!tpu.dma_semaphore, #tpu.memory_space<semaphore_mem>>)
      } else {
      }
      %mul3A_221 = arith.constant 3 : i32
      %mul3A_222 = arith.muli %scan3A_47, %mul3A_221 : i32
      %add3A_223 = arith.constant 2 : i32
      %add3A_224 = arith.addi %mul3A_222, %add3A_223 : i32
      %mul3A_225 = arith.constant 16 : i32
      %mul3A_226 = arith.muli %add3A_224, %mul3A_225 : i32
      %add3A_227 = arith.addi %mul3A_2, %mul3A_226 : i32
      %multiple_of3A_228 = tpu.assume_multiple %add3A_227, 8 : i32
      %dma_wait3A_229 = arith.constant 0 : i32
      %dma_wait3A_230 = tpu.memref_slice %arg2[%multiple_of3A_228, %dma_wait3A_229] : memref<100000x1024xf32, #tpu.memory_space<hbm>> -> memref<16x1024xf32, #tpu.memory_space<hbm>>
      %dma_wait3A_231 = arith.constant 0 : i32
      %dma_wait3A_232 = tpu.memref_slice %arg2[%multiple_of3A_228, %dma_wait3A_231] : memref<100000x1024xf32, #tpu.memory_space<hbm>> -> memref<16x1024xf32, #tpu.memory_space<hbm>>
      tpu.wait_dma2 semaphore(%arg14 : memref<!tpu.dma_semaphore, #tpu.memory_space<semaphore_mem>>) src(%dma_wait3A_232 : memref<16x1024xf32, #tpu.memory_space<hbm>>) dst(%arg8 : memref<16x1024xf32, #tpu.memory_space<vmem>>)
      %ge3A_233 = arith.constant 3 : i32
      %ge3A_234 = arith.cmpi sge, %add3A_224, %ge3A_233 : i32
      %convert_element_type3A_235 = arith.extui %ge3A_234 : i1 to i32
      %cond3A_236 = arith.constant 0 : i32
      %cond3A_237 = arith.cmpi ne, %convert_element_type3A_235, %cond3A_236 : i32
      scf.if %cond3A_237 {
        %sub3A = arith.constant 3 : i32
        %sub3A_310 = arith.subi %add3A_224, %sub3A : i32
        %mul3A_311 = arith.constant 16 : i32
        %mul3A_312 = arith.muli %sub3A_310, %mul3A_311 : i32
        %add3A_313 = arith.addi %mul3A_2, %mul3A_312 : i32
        %multiple_of3A_314 = tpu.assume_multiple %add3A_313, 8 : i32
        %dma_wait3A_315 = arith.constant 0 : i32
        %dma_wait3A_316 = tpu.memref_slice %arg4[%multiple_of3A_314, %dma_wait3A_315] : memref<100000x1024xf32, #tpu.memory_space<hbm>> -> memref<16x1024xf32, #tpu.memory_space<hbm>>
        %dma_wait3A_317 = arith.constant 0 : i32
        %dma_wait3A_318 = tpu.memref_slice %arg4[%multiple_of3A_314, %dma_wait3A_317] : memref<100000x1024xf32, #tpu.memory_space<hbm>> -> memref<16x1024xf32, #tpu.memory_space<hbm>>
        tpu.wait_dma2 semaphore(%arg17 : memref<!tpu.dma_semaphore, #tpu.memory_space<semaphore_mem>>) src(%arg11 : memref<16x1024xf32, #tpu.memory_space<vmem>>) dst(%dma_wait3A_318 : memref<16x1024xf32, #tpu.memory_space<hbm>>)
      } else {
      }
      %mul3A_238 = arith.constant 16 : i32
      %mul3A_239 = arith.muli %add3A_224, %mul3A_238 : i32
      %add3A_240 = arith.addi %mul3A_2, %mul3A_239 : i32
      %add3A_241 = arith.constant 0 : i32
      %add3A_242 = arith.addi %add3A_240, %add3A_241 : i32
      %broadcast_in_dim3A_243 = vector.broadcast %add3A_242 : i32 to vector<16xi32>
      %add3A_244 = arith.constant 1 : i32
      %add3A_245 = arith.addi %add3A_240, %add3A_244 : i32
      %broadcast_in_dim3A_246 = vector.broadcast %add3A_245 : i32 to vector<16xi32>
      %add3A_247 = arith.constant 2 : i32
      %add3A_248 = arith.addi %add3A_240, %add3A_247 : i32
      %broadcast_in_dim3A_249 = vector.broadcast %add3A_248 : i32 to vector<16xi32>
      %add3A_250 = arith.constant 3 : i32
      %add3A_251 = arith.addi %add3A_240, %add3A_250 : i32
      %broadcast_in_dim3A_252 = vector.broadcast %add3A_251 : i32 to vector<16xi32>
      %add3A_253 = arith.constant 4 : i32
      %add3A_254 = arith.addi %add3A_240, %add3A_253 : i32
      %broadcast_in_dim3A_255 = vector.broadcast %add3A_254 : i32 to vector<16xi32>
      %add3A_256 = arith.constant 5 : i32
      %add3A_257 = arith.addi %add3A_240, %add3A_256 : i32
      %broadcast_in_dim3A_258 = vector.broadcast %add3A_257 : i32 to vector<16xi32>
      %add3A_259 = arith.constant 6 : i32
      %add3A_260 = arith.addi %add3A_240, %add3A_259 : i32
      %broadcast_in_dim3A_261 = vector.broadcast %add3A_260 : i32 to vector<16xi32>
      %add3A_262 = arith.constant 7 : i32
      %add3A_263 = arith.addi %add3A_240, %add3A_262 : i32
      %broadcast_in_dim3A_264 = vector.broadcast %add3A_263 : i32 to vector<16xi32>
      %add3A_265 = arith.constant 8 : i32
      %add3A_266 = arith.addi %add3A_240, %add3A_265 : i32
      %broadcast_in_dim3A_267 = vector.broadcast %add3A_266 : i32 to vector<16xi32>
      %add3A_268 = arith.constant 9 : i32
      %add3A_269 = arith.addi %add3A_240, %add3A_268 : i32
      %broadcast_in_dim3A_270 = vector.broadcast %add3A_269 : i32 to vector<16xi32>
      %add3A_271 = arith.constant 10 : i32
      %add3A_272 = arith.addi %add3A_240, %add3A_271 : i32
      %broadcast_in_dim3A_273 = vector.broadcast %add3A_272 : i32 to vector<16xi32>
      %add3A_274 = arith.constant 11 : i32
      %add3A_275 = arith.addi %add3A_240, %add3A_274 : i32
      %broadcast_in_dim3A_276 = vector.broadcast %add3A_275 : i32 to vector<16xi32>
      %add3A_277 = arith.constant 12 : i32
      %add3A_278 = arith.addi %add3A_240, %add3A_277 : i32
      %broadcast_in_dim3A_279 = vector.broadcast %add3A_278 : i32 to vector<16xi32>
      %add3A_280 = arith.constant 13 : i32
      %add3A_281 = arith.addi %add3A_240, %add3A_280 : i32
      %broadcast_in_dim3A_282 = vector.broadcast %add3A_281 : i32 to vector<16xi32>
      %add3A_283 = arith.constant 14 : i32
      %add3A_284 = arith.addi %add3A_240, %add3A_283 : i32
      %broadcast_in_dim3A_285 = vector.broadcast %add3A_284 : i32 to vector<16xi32>
      %add3A_286 = arith.constant 15 : i32
      %add3A_287 = arith.addi %add3A_240, %add3A_286 : i32
      %broadcast_in_dim3A_288 = vector.broadcast %add3A_287 : i32 to vector<16xi32>
      %scan3A_289 = arith.constant 0 : i32
      %scan3A_290 = arith.constant 0 : i32
      %scan3A_291 = arith.constant 64 : i32
      %scan3A_292 = arith.addi %scan3A_290, %scan3A_291 : i32
      %scan3A_293 = arith.constant 1 : i32
      scf.for %scan3A_310 = %scan3A_290 to %scan3A_292 step %scan3A_293  : i32 {
        %mul3A_311 = arith.constant 16 : i32
        %mul3A_312 = arith.muli %scan3A_310, %mul3A_311 : i32
        %get3A = arith.index_cast %mul3A_312 : i32 to index
        %get3A_313 = tpu.vector_load %arg5[%get3A] {strides = array<i32>} : memref<1024xi32, #tpu.memory_space<vmem>>, vector<16xi32>,
        %get3A_314 = vector.shape_cast %get3A_313 : vector<16xi32> to vector<16xi32>
        %eq3A = arith.cmpi eq, %get3A_314, %broadcast_in_dim3A_243 : vector<16xi32>
        %get3A_315 = arith.constant 0 : i32
        %get3A_316 = arith.index_cast %get3A_315 : i32 to index
        %get3A_317 = arith.index_cast %mul3A_312 : i32 to index
        %get3A_318 = tpu.vector_load %arg8[%get3A_316, %get3A_317] {strides = array<i32>} : memref<16x1024xf32, #tpu.memory_space<vmem>>, vector<1x16xf32>,
        %get3A_319 = vector.shape_cast %get3A_318 : vector<1x16xf32> to vector<16xf32>
        %jit3A = arith.constant 4.000000e-01 : f32
        %jit3A_320 = arith.constant 0.000000e+00 : f32
        %broadcast_in_dim3A_321 = vector.broadcast %jit3A : f32 to vector<16xf32>
        %broadcast_in_dim3A_322 = vector.broadcast %jit3A_320 : f32 to vector<16xf32>
        %select_n3A = arith.select %eq3A, %broadcast_in_dim3A_321, %broadcast_in_dim3A_322 : vector<16xi1>, vector<16xf32>
        %sub3A = arith.subf %get3A_319, %select_n3A : vector<16xf32>
        %mul3A_323 = arith.constant 6.400000e+01 : f32
        %mul3A_324 = vector.broadcast %mul3A_323 : f32 to vector<16xf32>
        %mul3A_325 = arith.mulf %sub3A, %mul3A_324 : vector<16xf32>
        %swap3A = arith.constant 0 : i32
        %swap3A_326 = arith.index_cast %swap3A : i32 to index
        %swap3A_327 = arith.index_cast %mul3A_312 : i32 to index
        %swap3A_328 = tpu.vector_load %arg11[%swap3A_326, %swap3A_327] {strides = array<i32>} : memref<16x1024xf32, #tpu.memory_space<vmem>>, vector<1x16xf32>,
        %swap3A_329 = vector.shape_cast %swap3A_328 : vector<1x16xf32> to vector<16xf32>
        %swap3A_330 = vector.shape_cast %mul3A_325 : vector<16xf32> to vector<1x16xf32>
        tpu.vector_store %arg11[%swap3A_326, %swap3A_327], %swap3A_330 {strides = array<i32>} : memref<16x1024xf32, #tpu.memory_space<vmem>>, vector<1x16xf32>,
        %eq3A_331 = arith.cmpi eq, %get3A_314, %broadcast_in_dim3A_246 : vector<16xi32>
        %get3A_332 = arith.constant 1 : i32
        %get3A_333 = arith.index_cast %get3A_332 : i32 to index
        %get3A_334 = arith.index_cast %mul3A_312 : i32 to index
        %get3A_335 = tpu.vector_load %arg8[%get3A_333, %get3A_334] {strides = array<i32>} : memref<16x1024xf32, #tpu.memory_space<vmem>>, vector<1x16xf32>,
        %get3A_336 = vector.shape_cast %get3A_335 : vector<1x16xf32> to vector<16xf32>
        %jit3A_337 = arith.constant 4.000000e-01 : f32
        %jit3A_338 = arith.constant 0.000000e+00 : f32
        %broadcast_in_dim3A_339 = vector.broadcast %jit3A_337 : f32 to vector<16xf32>
        %broadcast_in_dim3A_340 = vector.broadcast %jit3A_338 : f32 to vector<16xf32>
        %select_n3A_341 = arith.select %eq3A_331, %broadcast_in_dim3A_339, %broadcast_in_dim3A_340 : vector<16xi1>, vector<16xf32>
        %sub3A_342 = arith.subf %get3A_336, %select_n3A_341 : vector<16xf32>
        %mul3A_343 = arith.constant 6.400000e+01 : f32
        %mul3A_344 = vector.broadcast %mul3A_343 : f32 to vector<16xf32>
        %mul3A_345 = arith.mulf %sub3A_342, %mul3A_344 : vector<16xf32>
        %swap3A_346 = arith.constant 1 : i32
        %swap3A_347 = arith.index_cast %swap3A_346 : i32 to index
        %swap3A_348 = arith.index_cast %mul3A_312 : i32 to index
        %swap3A_349 = tpu.vector_load %arg11[%swap3A_347, %swap3A_348] {strides = array<i32>} : memref<16x1024xf32, #tpu.memory_space<vmem>>, vector<1x16xf32>,
        %swap3A_350 = vector.shape_cast %swap3A_349 : vector<1x16xf32> to vector<16xf32>
        %swap3A_351 = vector.shape_cast %mul3A_345 : vector<16xf32> to vector<1x16xf32>
        tpu.vector_store %arg11[%swap3A_347, %swap3A_348], %swap3A_351 {strides = array<i32>} : memref<16x1024xf32, #tpu.memory_space<vmem>>, vector<1x16xf32>,
        %eq3A_352 = arith.cmpi eq, %get3A_314, %broadcast_in_dim3A_249 : vector<16xi32>
        %get3A_353 = arith.constant 2 : i32
        %get3A_354 = arith.index_cast %get3A_353 : i32 to index
        %get3A_355 = arith.index_cast %mul3A_312 : i32 to index
        %get3A_356 = tpu.vector_load %arg8[%get3A_354, %get3A_355] {strides = array<i32>} : memref<16x1024xf32, #tpu.memory_space<vmem>>, vector<1x16xf32>,
        %get3A_357 = vector.shape_cast %get3A_356 : vector<1x16xf32> to vector<16xf32>
        %jit3A_358 = arith.constant 4.000000e-01 : f32
        %jit3A_359 = arith.constant 0.000000e+00 : f32
        %broadcast_in_dim3A_360 = vector.broadcast %jit3A_358 : f32 to vector<16xf32>
        %broadcast_in_dim3A_361 = vector.broadcast %jit3A_359 : f32 to vector<16xf32>
        %select_n3A_362 = arith.select %eq3A_352, %broadcast_in_dim3A_360, %broadcast_in_dim3A_361 : vector<16xi1>, vector<16xf32>
        %sub3A_363 = arith.subf %get3A_357, %select_n3A_362 : vector<16xf32>
        %mul3A_364 = arith.constant 6.400000e+01 : f32
        %mul3A_365 = vector.broadcast %mul3A_364 : f32 to vector<16xf32>
        %mul3A_366 = arith.mulf %sub3A_363, %mul3A_365 : vector<16xf32>
        %swap3A_367 = arith.constant 2 : i32
        %swap3A_368 = arith.index_cast %swap3A_367 : i32 to index
        %swap3A_369 = arith.index_cast %mul3A_312 : i32 to index
        %swap3A_370 = tpu.vector_load %arg11[%swap3A_368, %swap3A_369] {strides = array<i32>} : memref<16x1024xf32, #tpu.memory_space<vmem>>, vector<1x16xf32>,
        %swap3A_371 = vector.shape_cast %swap3A_370 : vector<1x16xf32> to vector<16xf32>
        %swap3A_372 = vector.shape_cast %mul3A_366 : vector<16xf32> to vector<1x16xf32>
        tpu.vector_store %arg11[%swap3A_368, %swap3A_369], %swap3A_372 {strides = array<i32>} : memref<16x1024xf32, #tpu.memory_space<vmem>>, vector<1x16xf32>,
        %eq3A_373 = arith.cmpi eq, %get3A_314, %broadcast_in_dim3A_252 : vector<16xi32>
        %get3A_374 = arith.constant 3 : i32
        %get3A_375 = arith.index_cast %get3A_374 : i32 to index
        %get3A_376 = arith.index_cast %mul3A_312 : i32 to index
        %get3A_377 = tpu.vector_load %arg8[%get3A_375, %get3A_376] {strides = array<i32>} : memref<16x1024xf32, #tpu.memory_space<vmem>>, vector<1x16xf32>,
        %get3A_378 = vector.shape_cast %get3A_377 : vector<1x16xf32> to vector<16xf32>
        %jit3A_379 = arith.constant 4.000000e-01 : f32
        %jit3A_380 = arith.constant 0.000000e+00 : f32
        %broadcast_in_dim3A_381 = vector.broadcast %jit3A_379 : f32 to vector<16xf32>
        %broadcast_in_dim3A_382 = vector.broadcast %jit3A_380 : f32 to vector<16xf32>
        %select_n3A_383 = arith.select %eq3A_373, %broadcast_in_dim3A_381, %broadcast_in_dim3A_382 : vector<16xi1>, vector<16xf32>
        %sub3A_384 = arith.subf %get3A_378, %select_n3A_383 : vector<16xf32>
        %mul3A_385 = arith.constant 6.400000e+01 : f32
        %mul3A_386 = vector.broadcast %mul3A_385 : f32 to vector<16xf32>
        %mul3A_387 = arith.mulf %sub3A_384, %mul3A_386 : vector<16xf32>
        %swap3A_388 = arith.constant 3 : i32
        %swap3A_389 = arith.index_cast %swap3A_388 : i32 to index
        %swap3A_390 = arith.index_cast %mul3A_312 : i32 to index
        %swap3A_391 = tpu.vector_load %arg11[%swap3A_389, %swap3A_390] {strides = array<i32>} : memref<16x1024xf32, #tpu.memory_space<vmem>>, vector<1x16xf32>,
        %swap3A_392 = vector.shape_cast %swap3A_391 : vector<1x16xf32> to vector<16xf32>
        %swap3A_393 = vector.shape_cast %mul3A_387 : vector<16xf32> to vector<1x16xf32>
        tpu.vector_store %arg11[%swap3A_389, %swap3A_390], %swap3A_393 {strides = array<i32>} : memref<16x1024xf32, #tpu.memory_space<vmem>>, vector<1x16xf32>,
        %eq3A_394 = arith.cmpi eq, %get3A_314, %broadcast_in_dim3A_255 : vector<16xi32>
        %get3A_395 = arith.constant 4 : i32
        %get3A_396 = arith.index_cast %get3A_395 : i32 to index
        %get3A_397 = arith.index_cast %mul3A_312 : i32 to index
        %get3A_398 = tpu.vector_load %arg8[%get3A_396, %get3A_397] {strides = array<i32>} : memref<16x1024xf32, #tpu.memory_space<vmem>>, vector<1x16xf32>,
        %get3A_399 = vector.shape_cast %get3A_398 : vector<1x16xf32> to vector<16xf32>
        %jit3A_400 = arith.constant 4.000000e-01 : f32
        %jit3A_401 = arith.constant 0.000000e+00 : f32
        %broadcast_in_dim3A_402 = vector.broadcast %jit3A_400 : f32 to vector<16xf32>
        %broadcast_in_dim3A_403 = vector.broadcast %jit3A_401 : f32 to vector<16xf32>
        %select_n3A_404 = arith.select %eq3A_394, %broadcast_in_dim3A_402, %broadcast_in_dim3A_403 : vector<16xi1>, vector<16xf32>
        %sub3A_405 = arith.subf %get3A_399, %select_n3A_404 : vector<16xf32>
        %mul3A_406 = arith.constant 6.400000e+01 : f32
        %mul3A_407 = vector.broadcast %mul3A_406 : f32 to vector<16xf32>
        %mul3A_408 = arith.mulf %sub3A_405, %mul3A_407 : vector<16xf32>
        %swap3A_409 = arith.constant 4 : i32
        %swap3A_410 = arith.index_cast %swap3A_409 : i32 to index
        %swap3A_411 = arith.index_cast %mul3A_312 : i32 to index
        %swap3A_412 = tpu.vector_load %arg11[%swap3A_410, %swap3A_411] {strides = array<i32>} : memref<16x1024xf32, #tpu.memory_space<vmem>>, vector<1x16xf32>,
        %swap3A_413 = vector.shape_cast %swap3A_412 : vector<1x16xf32> to vector<16xf32>
        %swap3A_414 = vector.shape_cast %mul3A_408 : vector<16xf32> to vector<1x16xf32>
        tpu.vector_store %arg11[%swap3A_410, %swap3A_411], %swap3A_414 {strides = array<i32>} : memref<16x1024xf32, #tpu.memory_space<vmem>>, vector<1x16xf32>,
        %eq3A_415 = arith.cmpi eq, %get3A_314, %broadcast_in_dim3A_258 : vector<16xi32>
        %get3A_416 = arith.constant 5 : i32
        %get3A_417 = arith.index_cast %get3A_416 : i32 to index
        %get3A_418 = arith.index_cast %mul3A_312 : i32 to index
        %get3A_419 = tpu.vector_load %arg8[%get3A_417, %get3A_418] {strides = array<i32>} : memref<16x1024xf32, #tpu.memory_space<vmem>>, vector<1x16xf32>,
        %get3A_420 = vector.shape_cast %get3A_419 : vector<1x16xf32> to vector<16xf32>
        %jit3A_421 = arith.constant 4.000000e-01 : f32
        %jit3A_422 = arith.constant 0.000000e+00 : f32
        %broadcast_in_dim3A_423 = vector.broadcast %jit3A_421 : f32 to vector<16xf32>
        %broadcast_in_dim3A_424 = vector.broadcast %jit3A_422 : f32 to vector<16xf32>
        %select_n3A_425 = arith.select %eq3A_415, %broadcast_in_dim3A_423, %broadcast_in_dim3A_424 : vector<16xi1>, vector<16xf32>
        %sub3A_426 = arith.subf %get3A_420, %select_n3A_425 : vector<16xf32>
        %mul3A_427 = arith.constant 6.400000e+01 : f32
        %mul3A_428 = vector.broadcast %mul3A_427 : f32 to vector<16xf32>
        %mul3A_429 = arith.mulf %sub3A_426, %mul3A_428 : vector<16xf32>
        %swap3A_430 = arith.constant 5 : i32
        %swap3A_431 = arith.index_cast %swap3A_430 : i32 to index
        %swap3A_432 = arith.index_cast %mul3A_312 : i32 to index
        %swap3A_433 = tpu.vector_load %arg11[%swap3A_431, %swap3A_432] {strides = array<i32>} : memref<16x1024xf32, #tpu.memory_space<vmem>>, vector<1x16xf32>,
        %swap3A_434 = vector.shape_cast %swap3A_433 : vector<1x16xf32> to vector<16xf32>
        %swap3A_435 = vector.shape_cast %mul3A_429 : vector<16xf32> to vector<1x16xf32>
        tpu.vector_store %arg11[%swap3A_431, %swap3A_432], %swap3A_435 {strides = array<i32>} : memref<16x1024xf32, #tpu.memory_space<vmem>>, vector<1x16xf32>,
        %eq3A_436 = arith.cmpi eq, %get3A_314, %broadcast_in_dim3A_261 : vector<16xi32>
        %get3A_437 = arith.constant 6 : i32
        %get3A_438 = arith.index_cast %get3A_437 : i32 to index
        %get3A_439 = arith.index_cast %mul3A_312 : i32 to index
        %get3A_440 = tpu.vector_load %arg8[%get3A_438, %get3A_439] {strides = array<i32>} : memref<16x1024xf32, #tpu.memory_space<vmem>>, vector<1x16xf32>,
        %get3A_441 = vector.shape_cast %get3A_440 : vector<1x16xf32> to vector<16xf32>
        %jit3A_442 = arith.constant 4.000000e-01 : f32
        %jit3A_443 = arith.constant 0.000000e+00 : f32
        %broadcast_in_dim3A_444 = vector.broadcast %jit3A_442 : f32 to vector<16xf32>
        %broadcast_in_dim3A_445 = vector.broadcast %jit3A_443 : f32 to vector<16xf32>
        %select_n3A_446 = arith.select %eq3A_436, %broadcast_in_dim3A_444, %broadcast_in_dim3A_445 : vector<16xi1>, vector<16xf32>
        %sub3A_447 = arith.subf %get3A_441, %select_n3A_446 : vector<16xf32>
        %mul3A_448 = arith.constant 6.400000e+01 : f32
        %mul3A_449 = vector.broadcast %mul3A_448 : f32 to vector<16xf32>
        %mul3A_450 = arith.mulf %sub3A_447, %mul3A_449 : vector<16xf32>
        %swap3A_451 = arith.constant 6 : i32
        %swap3A_452 = arith.index_cast %swap3A_451 : i32 to index
        %swap3A_453 = arith.index_cast %mul3A_312 : i32 to index
        %swap3A_454 = tpu.vector_load %arg11[%swap3A_452, %swap3A_453] {strides = array<i32>} : memref<16x1024xf32, #tpu.memory_space<vmem>>, vector<1x16xf32>,
        %swap3A_455 = vector.shape_cast %swap3A_454 : vector<1x16xf32> to vector<16xf32>
        %swap3A_456 = vector.shape_cast %mul3A_450 : vector<16xf32> to vector<1x16xf32>
        tpu.vector_store %arg11[%swap3A_452, %swap3A_453], %swap3A_456 {strides = array<i32>} : memref<16x1024xf32, #tpu.memory_space<vmem>>, vector<1x16xf32>,
        %eq3A_457 = arith.cmpi eq, %get3A_314, %broadcast_in_dim3A_264 : vector<16xi32>
        %get3A_458 = arith.constant 7 : i32
        %get3A_459 = arith.index_cast %get3A_458 : i32 to index
        %get3A_460 = arith.index_cast %mul3A_312 : i32 to index
        %get3A_461 = tpu.vector_load %arg8[%get3A_459, %get3A_460] {strides = array<i32>} : memref<16x1024xf32, #tpu.memory_space<vmem>>, vector<1x16xf32>,
        %get3A_462 = vector.shape_cast %get3A_461 : vector<1x16xf32> to vector<16xf32>
        %jit3A_463 = arith.constant 4.000000e-01 : f32
        %jit3A_464 = arith.constant 0.000000e+00 : f32
        %broadcast_in_dim3A_465 = vector.broadcast %jit3A_463 : f32 to vector<16xf32>
        %broadcast_in_dim3A_466 = vector.broadcast %jit3A_464 : f32 to vector<16xf32>
        %select_n3A_467 = arith.select %eq3A_457, %broadcast_in_dim3A_465, %broadcast_in_dim3A_466 : vector<16xi1>, vector<16xf32>
        %sub3A_468 = arith.subf %get3A_462, %select_n3A_467 : vector<16xf32>
        %mul3A_469 = arith.constant 6.400000e+01 : f32
        %mul3A_470 = vector.broadcast %mul3A_469 : f32 to vector<16xf32>
        %mul3A_471 = arith.mulf %sub3A_468, %mul3A_470 : vector<16xf32>
        %swap3A_472 = arith.constant 7 : i32
        %swap3A_473 = arith.index_cast %swap3A_472 : i32 to index
        %swap3A_474 = arith.index_cast %mul3A_312 : i32 to index
        %swap3A_475 = tpu.vector_load %arg11[%swap3A_473, %swap3A_474] {strides = array<i32>} : memref<16x1024xf32, #tpu.memory_space<vmem>>, vector<1x16xf32>,
        %swap3A_476 = vector.shape_cast %swap3A_475 : vector<1x16xf32> to vector<16xf32>
        %swap3A_477 = vector.shape_cast %mul3A_471 : vector<16xf32> to vector<1x16xf32>
        tpu.vector_store %arg11[%swap3A_473, %swap3A_474], %swap3A_477 {strides = array<i32>} : memref<16x1024xf32, #tpu.memory_space<vmem>>, vector<1x16xf32>,
        %eq3A_478 = arith.cmpi eq, %get3A_314, %broadcast_in_dim3A_267 : vector<16xi32>
        %get3A_479 = arith.constant 8 : i32
        %get3A_480 = arith.index_cast %get3A_479 : i32 to index
        %get3A_481 = arith.index_cast %mul3A_312 : i32 to index
        %get3A_482 = tpu.vector_load %arg8[%get3A_480, %get3A_481] {strides = array<i32>} : memref<16x1024xf32, #tpu.memory_space<vmem>>, vector<1x16xf32>,
        %get3A_483 = vector.shape_cast %get3A_482 : vector<1x16xf32> to vector<16xf32>
        %jit3A_484 = arith.constant 4.000000e-01 : f32
        %jit3A_485 = arith.constant 0.000000e+00 : f32
        %broadcast_in_dim3A_486 = vector.broadcast %jit3A_484 : f32 to vector<16xf32>
        %broadcast_in_dim3A_487 = vector.broadcast %jit3A_485 : f32 to vector<16xf32>
        %select_n3A_488 = arith.select %eq3A_478, %broadcast_in_dim3A_486, %broadcast_in_dim3A_487 : vector<16xi1>, vector<16xf32>
        %sub3A_489 = arith.subf %get3A_483, %select_n3A_488 : vector<16xf32>
        %mul3A_490 = arith.constant 6.400000e+01 : f32
        %mul3A_491 = vector.broadcast %mul3A_490 : f32 to vector<16xf32>
        %mul3A_492 = arith.mulf %sub3A_489, %mul3A_491 : vector<16xf32>
        %swap3A_493 = arith.constant 8 : i32
        %swap3A_494 = arith.index_cast %swap3A_493 : i32 to index
        %swap3A_495 = arith.index_cast %mul3A_312 : i32 to index
        %swap3A_496 = tpu.vector_load %arg11[%swap3A_494, %swap3A_495] {strides = array<i32>} : memref<16x1024xf32, #tpu.memory_space<vmem>>, vector<1x16xf32>,
        %swap3A_497 = vector.shape_cast %swap3A_496 : vector<1x16xf32> to vector<16xf32>
        %swap3A_498 = vector.shape_cast %mul3A_492 : vector<16xf32> to vector<1x16xf32>
        tpu.vector_store %arg11[%swap3A_494, %swap3A_495], %swap3A_498 {strides = array<i32>} : memref<16x1024xf32, #tpu.memory_space<vmem>>, vector<1x16xf32>,
        %eq3A_499 = arith.cmpi eq, %get3A_314, %broadcast_in_dim3A_270 : vector<16xi32>
        %get3A_500 = arith.constant 9 : i32
        %get3A_501 = arith.index_cast %get3A_500 : i32 to index
        %get3A_502 = arith.index_cast %mul3A_312 : i32 to index
        %get3A_503 = tpu.vector_load %arg8[%get3A_501, %get3A_502] {strides = array<i32>} : memref<16x1024xf32, #tpu.memory_space<vmem>>, vector<1x16xf32>,
        %get3A_504 = vector.shape_cast %get3A_503 : vector<1x16xf32> to vector<16xf32>
        %jit3A_505 = arith.constant 4.000000e-01 : f32
        %jit3A_506 = arith.constant 0.000000e+00 : f32
        %broadcast_in_dim3A_507 = vector.broadcast %jit3A_505 : f32 to vector<16xf32>
        %broadcast_in_dim3A_508 = vector.broadcast %jit3A_506 : f32 to vector<16xf32>
        %select_n3A_509 = arith.select %eq3A_499, %broadcast_in_dim3A_507, %broadcast_in_dim3A_508 : vector<16xi1>, vector<16xf32>
        %sub3A_510 = arith.subf %get3A_504, %select_n3A_509 : vector<16xf32>
        %mul3A_511 = arith.constant 6.400000e+01 : f32
        %mul3A_512 = vector.broadcast %mul3A_511 : f32 to vector<16xf32>
        %mul3A_513 = arith.mulf %sub3A_510, %mul3A_512 : vector<16xf32>
        %swap3A_514 = arith.constant 9 : i32
        %swap3A_515 = arith.index_cast %swap3A_514 : i32 to index
        %swap3A_516 = arith.index_cast %mul3A_312 : i32 to index
        %swap3A_517 = tpu.vector_load %arg11[%swap3A_515, %swap3A_516] {strides = array<i32>} : memref<16x1024xf32, #tpu.memory_space<vmem>>, vector<1x16xf32>,
        %swap3A_518 = vector.shape_cast %swap3A_517 : vector<1x16xf32> to vector<16xf32>
        %swap3A_519 = vector.shape_cast %mul3A_513 : vector<16xf32> to vector<1x16xf32>
        tpu.vector_store %arg11[%swap3A_515, %swap3A_516], %swap3A_519 {strides = array<i32>} : memref<16x1024xf32, #tpu.memory_space<vmem>>, vector<1x16xf32>,
        %eq3A_520 = arith.cmpi eq, %get3A_314, %broadcast_in_dim3A_273 : vector<16xi32>
        %get3A_521 = arith.constant 10 : i32
        %get3A_522 = arith.index_cast %get3A_521 : i32 to index
        %get3A_523 = arith.index_cast %mul3A_312 : i32 to index
        %get3A_524 = tpu.vector_load %arg8[%get3A_522, %get3A_523] {strides = array<i32>} : memref<16x1024xf32, #tpu.memory_space<vmem>>, vector<1x16xf32>,
        %get3A_525 = vector.shape_cast %get3A_524 : vector<1x16xf32> to vector<16xf32>
        %jit3A_526 = arith.constant 4.000000e-01 : f32
        %jit3A_527 = arith.constant 0.000000e+00 : f32
        %broadcast_in_dim3A_528 = vector.broadcast %jit3A_526 : f32 to vector<16xf32>
        %broadcast_in_dim3A_529 = vector.broadcast %jit3A_527 : f32 to vector<16xf32>
        %select_n3A_530 = arith.select %eq3A_520, %broadcast_in_dim3A_528, %broadcast_in_dim3A_529 : vector<16xi1>, vector<16xf32>
        %sub3A_531 = arith.subf %get3A_525, %select_n3A_530 : vector<16xf32>
        %mul3A_532 = arith.constant 6.400000e+01 : f32
        %mul3A_533 = vector.broadcast %mul3A_532 : f32 to vector<16xf32>
        %mul3A_534 = arith.mulf %sub3A_531, %mul3A_533 : vector<16xf32>
        %swap3A_535 = arith.constant 10 : i32
        %swap3A_536 = arith.index_cast %swap3A_535 : i32 to index
        %swap3A_537 = arith.index_cast %mul3A_312 : i32 to index
        %swap3A_538 = tpu.vector_load %arg11[%swap3A_536, %swap3A_537] {strides = array<i32>} : memref<16x1024xf32, #tpu.memory_space<vmem>>, vector<1x16xf32>,
        %swap3A_539 = vector.shape_cast %swap3A_538 : vector<1x16xf32> to vector<16xf32>
        %swap3A_540 = vector.shape_cast %mul3A_534 : vector<16xf32> to vector<1x16xf32>
        tpu.vector_store %arg11[%swap3A_536, %swap3A_537], %swap3A_540 {strides = array<i32>} : memref<16x1024xf32, #tpu.memory_space<vmem>>, vector<1x16xf32>,
        %eq3A_541 = arith.cmpi eq, %get3A_314, %broadcast_in_dim3A_276 : vector<16xi32>
        %get3A_542 = arith.constant 11 : i32
        %get3A_543 = arith.index_cast %get3A_542 : i32 to index
        %get3A_544 = arith.index_cast %mul3A_312 : i32 to index
        %get3A_545 = tpu.vector_load %arg8[%get3A_543, %get3A_544] {strides = array<i32>} : memref<16x1024xf32, #tpu.memory_space<vmem>>, vector<1x16xf32>,
        %get3A_546 = vector.shape_cast %get3A_545 : vector<1x16xf32> to vector<16xf32>
        %jit3A_547 = arith.constant 4.000000e-01 : f32
        %jit3A_548 = arith.constant 0.000000e+00 : f32
        %broadcast_in_dim3A_549 = vector.broadcast %jit3A_547 : f32 to vector<16xf32>
        %broadcast_in_dim3A_550 = vector.broadcast %jit3A_548 : f32 to vector<16xf32>
        %select_n3A_551 = arith.select %eq3A_541, %broadcast_in_dim3A_549, %broadcast_in_dim3A_550 : vector<16xi1>, vector<16xf32>
        %sub3A_552 = arith.subf %get3A_546, %select_n3A_551 : vector<16xf32>
        %mul3A_553 = arith.constant 6.400000e+01 : f32
        %mul3A_554 = vector.broadcast %mul3A_553 : f32 to vector<16xf32>
        %mul3A_555 = arith.mulf %sub3A_552, %mul3A_554 : vector<16xf32>
        %swap3A_556 = arith.constant 11 : i32
        %swap3A_557 = arith.index_cast %swap3A_556 : i32 to index
        %swap3A_558 = arith.index_cast %mul3A_312 : i32 to index
        %swap3A_559 = tpu.vector_load %arg11[%swap3A_557, %swap3A_558] {strides = array<i32>} : memref<16x1024xf32, #tpu.memory_space<vmem>>, vector<1x16xf32>,
        %swap3A_560 = vector.shape_cast %swap3A_559 : vector<1x16xf32> to vector<16xf32>
        %swap3A_561 = vector.shape_cast %mul3A_555 : vector<16xf32> to vector<1x16xf32>
        tpu.vector_store %arg11[%swap3A_557, %swap3A_558], %swap3A_561 {strides = array<i32>} : memref<16x1024xf32, #tpu.memory_space<vmem>>, vector<1x16xf32>,
        %eq3A_562 = arith.cmpi eq, %get3A_314, %broadcast_in_dim3A_279 : vector<16xi32>
        %get3A_563 = arith.constant 12 : i32
        %get3A_564 = arith.index_cast %get3A_563 : i32 to index
        %get3A_565 = arith.index_cast %mul3A_312 : i32 to index
        %get3A_566 = tpu.vector_load %arg8[%get3A_564, %get3A_565] {strides = array<i32>} : memref<16x1024xf32, #tpu.memory_space<vmem>>, vector<1x16xf32>,
        %get3A_567 = vector.shape_cast %get3A_566 : vector<1x16xf32> to vector<16xf32>
        %jit3A_568 = arith.constant 4.000000e-01 : f32
        %jit3A_569 = arith.constant 0.000000e+00 : f32
        %broadcast_in_dim3A_570 = vector.broadcast %jit3A_568 : f32 to vector<16xf32>
        %broadcast_in_dim3A_571 = vector.broadcast %jit3A_569 : f32 to vector<16xf32>
        %select_n3A_572 = arith.select %eq3A_562, %broadcast_in_dim3A_570, %broadcast_in_dim3A_571 : vector<16xi1>, vector<16xf32>
        %sub3A_573 = arith.subf %get3A_567, %select_n3A_572 : vector<16xf32>
        %mul3A_574 = arith.constant 6.400000e+01 : f32
        %mul3A_575 = vector.broadcast %mul3A_574 : f32 to vector<16xf32>
        %mul3A_576 = arith.mulf %sub3A_573, %mul3A_575 : vector<16xf32>
        %swap3A_577 = arith.constant 12 : i32
        %swap3A_578 = arith.index_cast %swap3A_577 : i32 to index
        %swap3A_579 = arith.index_cast %mul3A_312 : i32 to index
        %swap3A_580 = tpu.vector_load %arg11[%swap3A_578, %swap3A_579] {strides = array<i32>} : memref<16x1024xf32, #tpu.memory_space<vmem>>, vector<1x16xf32>,
        %swap3A_581 = vector.shape_cast %swap3A_580 : vector<1x16xf32> to vector<16xf32>
        %swap3A_582 = vector.shape_cast %mul3A_576 : vector<16xf32> to vector<1x16xf32>
        tpu.vector_store %arg11[%swap3A_578, %swap3A_579], %swap3A_582 {strides = array<i32>} : memref<16x1024xf32, #tpu.memory_space<vmem>>, vector<1x16xf32>,
        %eq3A_583 = arith.cmpi eq, %get3A_314, %broadcast_in_dim3A_282 : vector<16xi32>
        %get3A_584 = arith.constant 13 : i32
        %get3A_585 = arith.index_cast %get3A_584 : i32 to index
        %get3A_586 = arith.index_cast %mul3A_312 : i32 to index
        %get3A_587 = tpu.vector_load %arg8[%get3A_585, %get3A_586] {strides = array<i32>} : memref<16x1024xf32, #tpu.memory_space<vmem>>, vector<1x16xf32>,
        %get3A_588 = vector.shape_cast %get3A_587 : vector<1x16xf32> to vector<16xf32>
        %jit3A_589 = arith.constant 4.000000e-01 : f32
        %jit3A_590 = arith.constant 0.000000e+00 : f32
        %broadcast_in_dim3A_591 = vector.broadcast %jit3A_589 : f32 to vector<16xf32>
        %broadcast_in_dim3A_592 = vector.broadcast %jit3A_590 : f32 to vector<16xf32>
        %select_n3A_593 = arith.select %eq3A_583, %broadcast_in_dim3A_591, %broadcast_in_dim3A_592 : vector<16xi1>, vector<16xf32>
        %sub3A_594 = arith.subf %get3A_588, %select_n3A_593 : vector<16xf32>
        %mul3A_595 = arith.constant 6.400000e+01 : f32
        %mul3A_596 = vector.broadcast %mul3A_595 : f32 to vector<16xf32>
        %mul3A_597 = arith.mulf %sub3A_594, %mul3A_596 : vector<16xf32>
        %swap3A_598 = arith.constant 13 : i32
        %swap3A_599 = arith.index_cast %swap3A_598 : i32 to index
        %swap3A_600 = arith.index_cast %mul3A_312 : i32 to index
        %swap3A_601 = tpu.vector_load %arg11[%swap3A_599, %swap3A_600] {strides = array<i32>} : memref<16x1024xf32, #tpu.memory_space<vmem>>, vector<1x16xf32>,
        %swap3A_602 = vector.shape_cast %swap3A_601 : vector<1x16xf32> to vector<16xf32>
        %swap3A_603 = vector.shape_cast %mul3A_597 : vector<16xf32> to vector<1x16xf32>
        tpu.vector_store %arg11[%swap3A_599, %swap3A_600], %swap3A_603 {strides = array<i32>} : memref<16x1024xf32, #tpu.memory_space<vmem>>, vector<1x16xf32>,
        %eq3A_604 = arith.cmpi eq, %get3A_314, %broadcast_in_dim3A_285 : vector<16xi32>
        %get3A_605 = arith.constant 14 : i32
        %get3A_606 = arith.index_cast %get3A_605 : i32 to index
        %get3A_607 = arith.index_cast %mul3A_312 : i32 to index
        %get3A_608 = tpu.vector_load %arg8[%get3A_606, %get3A_607] {strides = array<i32>} : memref<16x1024xf32, #tpu.memory_space<vmem>>, vector<1x16xf32>,
        %get3A_609 = vector.shape_cast %get3A_608 : vector<1x16xf32> to vector<16xf32>
        %jit3A_610 = arith.constant 4.000000e-01 : f32
        %jit3A_611 = arith.constant 0.000000e+00 : f32
        %broadcast_in_dim3A_612 = vector.broadcast %jit3A_610 : f32 to vector<16xf32>
        %broadcast_in_dim3A_613 = vector.broadcast %jit3A_611 : f32 to vector<16xf32>
        %select_n3A_614 = arith.select %eq3A_604, %broadcast_in_dim3A_612, %broadcast_in_dim3A_613 : vector<16xi1>, vector<16xf32>
        %sub3A_615 = arith.subf %get3A_609, %select_n3A_614 : vector<16xf32>
        %mul3A_616 = arith.constant 6.400000e+01 : f32
        %mul3A_617 = vector.broadcast %mul3A_616 : f32 to vector<16xf32>
        %mul3A_618 = arith.mulf %sub3A_615, %mul3A_617 : vector<16xf32>
        %swap3A_619 = arith.constant 14 : i32
        %swap3A_620 = arith.index_cast %swap3A_619 : i32 to index
        %swap3A_621 = arith.index_cast %mul3A_312 : i32 to index
        %swap3A_622 = tpu.vector_load %arg11[%swap3A_620, %swap3A_621] {strides = array<i32>} : memref<16x1024xf32, #tpu.memory_space<vmem>>, vector<1x16xf32>,
        %swap3A_623 = vector.shape_cast %swap3A_622 : vector<1x16xf32> to vector<16xf32>
        %swap3A_624 = vector.shape_cast %mul3A_618 : vector<16xf32> to vector<1x16xf32>
        tpu.vector_store %arg11[%swap3A_620, %swap3A_621], %swap3A_624 {strides = array<i32>} : memref<16x1024xf32, #tpu.memory_space<vmem>>, vector<1x16xf32>,
        %eq3A_625 = arith.cmpi eq, %get3A_314, %broadcast_in_dim3A_288 : vector<16xi32>
        %get3A_626 = arith.constant 15 : i32
        %get3A_627 = arith.index_cast %get3A_626 : i32 to index
        %get3A_628 = arith.index_cast %mul3A_312 : i32 to index
        %get3A_629 = tpu.vector_load %arg8[%get3A_627, %get3A_628] {strides = array<i32>} : memref<16x1024xf32, #tpu.memory_space<vmem>>, vector<1x16xf32>,
        %get3A_630 = vector.shape_cast %get3A_629 : vector<1x16xf32> to vector<16xf32>
        %jit3A_631 = arith.constant 4.000000e-01 : f32
        %jit3A_632 = arith.constant 0.000000e+00 : f32
        %broadcast_in_dim3A_633 = vector.broadcast %jit3A_631 : f32 to vector<16xf32>
        %broadcast_in_dim3A_634 = vector.broadcast %jit3A_632 : f32 to vector<16xf32>
        %select_n3A_635 = arith.select %eq3A_625, %broadcast_in_dim3A_633, %broadcast_in_dim3A_634 : vector<16xi1>, vector<16xf32>
        %sub3A_636 = arith.subf %get3A_630, %select_n3A_635 : vector<16xf32>
        %mul3A_637 = arith.constant 6.400000e+01 : f32
        %mul3A_638 = vector.broadcast %mul3A_637 : f32 to vector<16xf32>
        %mul3A_639 = arith.mulf %sub3A_636, %mul3A_638 : vector<16xf32>
        %swap3A_640 = arith.constant 15 : i32
        %swap3A_641 = arith.index_cast %swap3A_640 : i32 to index
        %swap3A_642 = arith.index_cast %mul3A_312 : i32 to index
        %swap3A_643 = tpu.vector_load %arg11[%swap3A_641, %swap3A_642] {strides = array<i32>} : memref<16x1024xf32, #tpu.memory_space<vmem>>, vector<1x16xf32>,
        %swap3A_644 = vector.shape_cast %swap3A_643 : vector<1x16xf32> to vector<16xf32>
        %swap3A_645 = vector.shape_cast %mul3A_639 : vector<16xf32> to vector<1x16xf32>
        tpu.vector_store %arg11[%swap3A_641, %swap3A_642], %swap3A_645 {strides = array<i32>} : memref<16x1024xf32, #tpu.memory_space<vmem>>, vector<1x16xf32>,
      }
      %scan3A_294 = arith.constant 64 : i32
      %mul3A_295 = arith.constant 16 : i32
      %mul3A_296 = arith.muli %add3A_224, %mul3A_295 : i32
      %add3A_297 = arith.addi %mul3A_2, %mul3A_296 : i32
      %multiple_of3A_298 = tpu.assume_multiple %add3A_297, 8 : i32
      %dma_start3A_299 = arith.constant 0 : i32
      %dma_start3A_300 = tpu.memref_slice %arg4[%multiple_of3A_298, %dma_start3A_299] : memref<100000x1024xf32, #tpu.memory_space<hbm>> -> memref<16x1024xf32, #tpu.memory_space<hbm>>
      %dma_start3A_301 = arith.constant 0 : i32
      %dma_start3A_302 = tpu.memref_slice %arg4[%multiple_of3A_298, %dma_start3A_301] : memref<100000x1024xf32, #tpu.memory_space<hbm>> -> memref<16x1024xf32, #tpu.memory_space<hbm>>
      tpu.enqueue_dma source(%arg11 : memref<16x1024xf32, #tpu.memory_space<vmem>>) target(%dma_start3A_302 : memref<16x1024xf32, #tpu.memory_space<hbm>>) target_semaphore(%arg17 : memref<!tpu.dma_semaphore, #tpu.memory_space<semaphore_mem>>)
      %add3A_303 = arith.constant 3 : i32
      %add3A_304 = arith.addi %add3A_224, %add3A_303 : i32
      %lt3A_305 = arith.constant 195 : i32
      %lt3A_306 = arith.cmpi slt, %add3A_304, %lt3A_305 : i32
      %convert_element_type3A_307 = arith.extui %lt3A_306 : i1 to i32
      %cond3A_308 = arith.constant 0 : i32
      %cond3A_309 = arith.cmpi ne, %convert_element_type3A_307, %cond3A_308 : i32
      scf.if %cond3A_309 {
        %add3A_310 = arith.constant 3 : i32
        %add3A_311 = arith.addi %add3A_224, %add3A_310 : i32
        %mul3A_312 = arith.constant 16 : i32
        %mul3A_313 = arith.muli %add3A_311, %mul3A_312 : i32
        %add3A_314 = arith.addi %mul3A_2, %mul3A_313 : i32
        %multiple_of3A_315 = tpu.assume_multiple %add3A_314, 8 : i32
        %dma_start3A_316 = arith.constant 0 : i32
        %dma_start3A_317 = tpu.memref_slice %arg2[%multiple_of3A_315, %dma_start3A_316] : memref<100000x1024xf32, #tpu.memory_space<hbm>> -> memref<16x1024xf32, #tpu.memory_space<hbm>>
        %dma_start3A_318 = arith.constant 0 : i32
        %dma_start3A_319 = tpu.memref_slice %arg2[%multiple_of3A_315, %dma_start3A_318] : memref<100000x1024xf32, #tpu.memory_space<hbm>> -> memref<16x1024xf32, #tpu.memory_space<hbm>>
        tpu.enqueue_dma source(%dma_start3A_319 : memref<16x1024xf32, #tpu.memory_space<hbm>>) target(%arg8 : memref<16x1024xf32, #tpu.memory_space<vmem>>) target_semaphore(%arg14 : memref<!tpu.dma_semaphore, #tpu.memory_space<semaphore_mem>>)
      } else {
      }
    }
    %scan3A_26 = arith.constant 65 : i32
    %add3A_27 = arith.constant 3072 : i32
    %add3A_28 = arith.addi %mul3A_2, %add3A_27 : i32
    %multiple_of3A_29 = tpu.assume_multiple %add3A_28, 8 : i32
    %dma_wait3A = arith.constant 0 : i32
    %dma_wait3A_30 = tpu.memref_slice %arg4[%multiple_of3A_29, %dma_wait3A] : memref<100000x1024xf32, #tpu.memory_space<hbm>> -> memref<16x1024xf32, #tpu.memory_space<hbm>>
    %dma_wait3A_31 = arith.constant 0 : i32
    %dma_wait3A_32 = tpu.memref_slice %arg4[%multiple_of3A_29, %dma_wait3A_31] : memref<100000x1024xf32, #tpu.memory_space<hbm>> -> memref<16x1024xf32, #tpu.memory_space<hbm>>
    tpu.wait_dma2 semaphore(%arg15 : memref<!tpu.dma_semaphore, #tpu.memory_space<semaphore_mem>>) src(%arg9 : memref<16x1024xf32, #tpu.memory_space<vmem>>) dst(%dma_wait3A_32 : memref<16x1024xf32, #tpu.memory_space<hbm>>)
    %add3A_33 = arith.constant 3088 : i32
    %add3A_34 = arith.addi %mul3A_2, %add3A_33 : i32
    %multiple_of3A_35 = tpu.assume_multiple %add3A_34, 8 : i32
    %dma_wait3A_36 = arith.constant 0 : i32
    %dma_wait3A_37 = tpu.memref_slice %arg4[%multiple_of3A_35, %dma_wait3A_36] : memref<100000x1024xf32, #tpu.memory_space<hbm>> -> memref<16x1024xf32, #tpu.memory_space<hbm>>
    %dma_wait3A_38 = arith.constant 0 : i32
    %dma_wait3A_39 = tpu.memref_slice %arg4[%multiple_of3A_35, %dma_wait3A_38] : memref<100000x1024xf32, #tpu.memory_space<hbm>> -> memref<16x1024xf32, #tpu.memory_space<hbm>>
    tpu.wait_dma2 semaphore(%arg16 : memref<!tpu.dma_semaphore, #tpu.memory_space<semaphore_mem>>) src(%arg10 : memref<16x1024xf32, #tpu.memory_space<vmem>>) dst(%dma_wait3A_39 : memref<16x1024xf32, #tpu.memory_space<hbm>>)
    %add3A_40 = arith.constant 3104 : i32
    %add3A_41 = arith.addi %mul3A_2, %add3A_40 : i32
    %multiple_of3A_42 = tpu.assume_multiple %add3A_41, 8 : i32
    %dma_wait3A_43 = arith.constant 0 : i32
    %dma_wait3A_44 = tpu.memref_slice %arg4[%multiple_of3A_42, %dma_wait3A_43] : memref<100000x1024xf32, #tpu.memory_space<hbm>> -> memref<16x1024xf32, #tpu.memory_space<hbm>>
    %dma_wait3A_45 = arith.constant 0 : i32
    %dma_wait3A_46 = tpu.memref_slice %arg4[%multiple_of3A_42, %dma_wait3A_45] : memref<100000x1024xf32, #tpu.memory_space<hbm>> -> memref<16x1024xf32, #tpu.memory_space<hbm>>
    tpu.wait_dma2 semaphore(%arg17 : memref<!tpu.dma_semaphore, #tpu.memory_space<semaphore_mem>>) src(%arg11 : memref<16x1024xf32, #tpu.memory_space<vmem>>) dst(%dma_wait3A_46 : memref<16x1024xf32, #tpu.memory_space<hbm>>)
    return
  }
}

module attributes {stable_mosaic.version = 14 : i64} {
  func.func @_tail_body(%arg0: i32, %arg1: memref<100000x1024xf32, #tpu.memory_space<hbm>>, %arg2: memref<1x1024xi32, #tpu.memory_space<vmem>>, %arg3: memref<160x1024xf32, #tpu.memory_space<vmem>>, %arg4: memref<160x1024xf32, #tpu.memory_space<vmem>>) attributes {dimension_semantics = [#tpu.dimension_semantics<arbitrary>], iteration_bounds = array<i64: 1>, scalar_prefetch = 0 : i64, scratch_operands = 0 : i64, tpu.core_type = #tpu.core_type<tc>, window_params = [{}, {pipeline_mode = #tpu.pipeline_mode<synchronous>, transform_indices = @transform_1, window_bounds = array<i64: 1, 1024>}, {transform_indices = @transform_2, window_bounds = array<i64: 160, 1024>}, {transform_indices = @transform_3, window_bounds = array<i64: 160, 1024>}]} {
    %iota3A = tpu.iota {dimensions = array<i32: 0>} : vector<160x1024xi32>
    %add3A = arith.constant 99840 : i32
    %add3A_0 = vector.broadcast %add3A : i32 to vector<160x1024xi32>
    %add3A_1 = arith.addi %add3A_0, %iota3A : vector<160x1024xi32>
    %get3A = arith.constant 0 : index
    %get3A_2 = arith.constant 0 : index
    %get3A_3 = vector.load %arg2[%get3A, %get3A_2] : memref<1x1024xi32, #tpu.memory_space<vmem>>, vector<1x1024xi32>
    %get3A_4 = arith.constant 0 : index
    %get3A_5 = arith.constant 0 : index
    %get3A_6 = vector.load %arg3[%get3A_4, %get3A_5] : memref<160x1024xf32, #tpu.memory_space<vmem>>, vector<160x1024xf32>
    %eq3A = vector.broadcast %get3A_3 : vector<1x1024xi32> to vector<160x1024xi32>
    %eq3A_7 = arith.cmpi eq, %add3A_1, %eq3A : vector<160x1024xi32>
    %jit3A = arith.constant 4.000000e-01 : f32
    %jit3A_8 = arith.constant 0.000000e+00 : f32
    %broadcast_in_dim3A = vector.broadcast %jit3A : f32 to vector<160x1024xf32>
    %broadcast_in_dim3A_9 = vector.broadcast %jit3A_8 : f32 to vector<160x1024xf32>
    %select_n3A = arith.select %eq3A_7, %broadcast_in_dim3A, %broadcast_in_dim3A_9 : vector<160x1024xi1>, vector<160x1024xf32>
    %sub3A = arith.subf %get3A_6, %select_n3A : vector<160x1024xf32>
    %mul3A = arith.constant 6.400000e+01 : f32
    %mul3A_10 = vector.broadcast %mul3A : f32 to vector<160x1024xf32>
    %mul3A_11 = arith.mulf %sub3A, %mul3A_10 : vector<160x1024xf32>
    %swap3A = arith.constant 0 : index
    %swap3A_12 = arith.constant 0 : index
    %swap3A_13 = vector.load %arg4[%swap3A, %swap3A_12] : memref<160x1024xf32, #tpu.memory_space<vmem>>, vector<160x1024xf32>
    tpu.vector_store %arg4[%swap3A, %swap3A_12], %mul3A_11 {strides = array<i32>} : memref<160x1024xf32, #tpu.memory_space<vmem>>, vector<160x1024xf32>,
    return
  }
  func.func @transform_1(%arg0: i32) -> (i32, i32) {
    %c0_i32 = arith.constant 0 : i32
    %c0_i32_0 = arith.constant 0 : i32
    %c0_i32_1 = arith.constant 0 : i32
    return %c0_i32, %c0_i32_0 : i32, i32
  }
  func.func @transform_2(%arg0: i32) -> (i32, i32) {
    %c624_i32 = arith.constant 624 : i32
    %c0_i32 = arith.constant 0 : i32
    %c0_i32_0 = arith.constant 0 : i32
    return %c624_i32, %c0_i32 : i32, i32
  }
  func.func @transform_3(%arg0: i32) -> (i32, i32) {
    %c624_i32 = arith.constant 624 : i32
    %c0_i32 = arith.constant 0 : i32
    %c0_i32_0 = arith.constant 0 : i32
    return %c624_i32, %c0_i32 : i32, i32
  }
}

</mosaic_0001>

<sc_bundles>
// kernel: kernel.4.cloned.1.call-start
scs
__scs_entry_jumppad:
0x0: {  	(pc) =	sbr.rel $0x88, $3  }
0x1: {  	(tag) =	ssettag $0x0;
	lr =	simm.s32 $0x1  }
0x2: {  	[smem:$0x3F9F] =	sst lr;
	_ =	strace $0xD0000000  }
0x3: {  	_ = 	snop  }
0x4: {  	_ = 	snop  }
0x5: {  	_ = 	snop  }
0x6: {  	_ = 	snop  }
0x7: {  	_ = 	snop  }
__scs_overlays_trampoline_lowered:
0x8: {  	[smem:$0x3FAE] =	sst s0  }
0x9: {  	[smem:$0x3FAF] =	sst s1  }
0xa: {  	[smem:$0x3FB0] =	sst s2  }
0xb: {  	[smem:$0x3FB1] =	sst s3  }
0xc: {  	[smem:$0x3FB2] =	sst s4  }
0xd: {  	[smem:$0x3FB3] =	sst s5  }
0xe: {  	[smem:$0x3FB4] =	sst s6  }
0xf: {  	[smem:$0x3FB5] =	sst s7  }
0x10: {  	[smem:$0x3FB6] =	sst s8  }
0x11: {  	[smem:$0x3FB7] =	sst s9;
	s0 =	simm.s32 @!p0 $0x0  }
0x12: {  	s1 =	sld [smem:$0x3F9D];
	s0 =	simm.s32 @p0 $0x1  }
0x13: {  	[smem:$0x3FB8] =	sst s0;
	s0 =	simm.s32 @!p1 $0x0  }
0x14: {  	s2 =	sld [smem:$0x3F9C];
	s0 =	simm.s32 @p1 $0x1  }
0x15: {  	[smem:$0x3FB9] =	sst s0;
	s0 =	simm.s32 @!p2 $0x0  }
0x16: {  	s3 =	sld [smem:$0x3FDB];
	s0 =	simm.s32 @p2 $0x1  }
0x17: {  	s4 =	simm.s32 $0x1BF5;
	[smem:$0x3FBB] =	sst s0  }
0x18: {  	s0 =	sld [smem:$0x3F9E];
	_ =	swait.ge [sflag:s4], $0x0  }
0x19: {  	s7 =	sld [smem:$0x3F9F]  }
0x1a: {  	s8 =	sadd.s32 $0xFFFFE003, lr  }
0x1b: {  	s9 =	sadd.s32 $0xFFFFFEF7, lr;
	s5 =	simm.s32 $0xFFFFFFFF;
	p2 =	slt.u32 s8, $0xFFFFF086  }
0x1c: {  	p1 =	slt.u32 s9, $0xF7A;
	s5 =	simm.s32 @!p2 $0x0  }
0x1d: {  	s5 =	simm.s32 @p1 $0x1;
	p0 =	seq.s32 s7, s2  }
0x1e: {  	s7 =	smul.u32 @!p0 $0xF7A, s2;
	p2 =	seq.s32 @!p0 s5, $0x0  }
0x1f: {  	s9 =	smul.u32 $0xF7A, s1;
	s8 =	simm.s32 @!p0 $0x1BF5;
	p2 =	por !p2, p0  }
0x20: {  	[sflag:s8] =	ssyncset.s32 @!p0 $0xFFFFF086;
	s6 =	sadd.s32 @!p0 s3, s7;
	s7 =	simm.s32 @!p0 $0x108  }
0x21: {  	s3 =	sadd.s32 s3, s9;
	s6 =	sadd.s32 @!p0 $0x88, s6;
	s7 =	simm.s32 @p2 $0x1082  }
0x22: {  	[simem:s7], [sflag:s8] =	dma.local @!p0 [hbm:s6], $0xF7A  }
0x23: {  	s9 =	sor.u32 $0xD0000000, s2;
	s6 =	simm.s32 $0x108;
	_ =	swait.ge @!p0 [sflag:s8], $0x0  }
0x24: {  	s3 =	sadd.s32 $0x88, s3;
	s6 =	simm.s32 @!p1 $0x1082;
	[sflag:s4] =	ssyncset.s32 $0xFFFFF086  }
0x25: {  	[simem:s6], [sflag:s4] =	dma.local [hbm:s3], $0xF7A  }
0x26: {  	[smem:$0x3F9F] =	sst s1;
	(tag) =	ssettag s2;
	_ =	strace s9  }
0x27: {  	s1 =	sld [smem:$0x3FAF]  }
0x28: {  	s2 =	sld [smem:$0x3FB0]  }
0x29: {  	s4 =	sld [smem:$0x3FB2]  }
0x2a: {  	p0 =	seq.s32 s5, $0x0;
	s5 =	sld [smem:$0x3FB3]  }
0x2b: {  	s6 =	sld [smem:$0x3FB4]  }
0x2c: {  	s7 =	sld [smem:$0x3FB5]  }
0x2d: {  	s3 =	simm.s32 $0x108;
	s8 =	sld [smem:$0x3FB6]  }
0x2e: {  	s3 =	simm.s32 @!p0 $0x1082;
	s9 =	sld [smem:$0x3FB7]  }
0x2f: {  	lr =	sadd.s32 s0, s3;
	s0 =	sld [smem:$0x3FAE]  }
0x30: {  	s3 =	sld [smem:$0x3FB1]  }
0x31: {  	[smem:$0x3FBA] =	sst s10  }
0x32: {  	s10 =	sld [smem:$0x3FB8];
	_ =	sdelay $0x3  }
0x33: {  	p0 =	seq.s32 s10, $0x1;
	s10 =	sld [smem:$0x3FBA];
	_ =	sdelay $0x3  }
0x34: {  	[smem:$0x3FBA] =	sst s10  }
0x35: {  	s10 =	sld [smem:$0x3FB9];
	_ =	sdelay $0x3  }
0x36: {  	p1 =	seq.s32 s10, $0x1;
	s10 =	sld [smem:$0x3FBA];
	_ =	sdelay $0x3  }
0x37: {  	[smem:$0x3FBA] =	sst s10  }
0x38: {  	s10 =	sld [smem:$0x3FBB]  }
0x39: {  	_ = 	snop;
	(pc) =	sbr.ind lr, $3  }
0x3a: {  	_ = 	snop  }
0x3b: {  	_ = 	snop  }
0x3c: {  	p2 =	seq.s32 s10, $0x1;
	s10 =	sld [smem:$0x3FBA]  }
0x3d: {  	_ =	shalt  }
0x3e: {  	_ =	shalt  }
0x3f: {  	_ =	shalt  }
0x40: {  	_ =	shalt  }
0x41: {  	_ =	shalt  }
0x42: {  	_ =	shalt  }
0x43: {  	_ =	shalt  }
0x44: {  	_ =	shalt  }
0x45: {  	_ =	shalt  }
0x46: {  	_ =	shalt  }
0x47: {  	_ =	shalt  }
0x48: {  	_ =	shalt  }
0x49: {  	_ =	shalt  }
0x4a: {  	_ =	shalt  }
0x4b: {  	_ =	shalt  }
0x4c: {  	_ =	shalt  }
0x4d: {  	_ =	shalt  }
0x4e: {  	_ =	shalt  }
0x4f: {  	_ =	shalt  }
0x50: {  	_ =	shalt  }
0x51: {  	_ =	shalt  }
0x52: {  	_ =	shalt  }
0x53: {  	_ =	shalt  }
0x54: {  	_ =	shalt  }
0x55: {  	_ =	shalt  }
0x56: {  	_ =	shalt  }
0x57: {  	_ =	shalt  }
0x58: {  	_ =	shalt  }
0x59: {  	_ =	shalt  }
0x5a: {  	_ =	shalt  }
0x5b: {  	_ =	shalt  }
0x5c: {  	_ =	shalt  }
0x5d: {  	_ =	shalt  }
0x5e: {  	_ =	shalt  }
0x5f: {  	_ =	shalt  }
0x60: {  	_ =	shalt  }
0x61: {  	_ =	shalt  }
0x62: {  	_ =	shalt  }
0x63: {  	_ =	shalt  }
0x64: {  	_ =	shalt  }
0x65: {  	_ =	shalt  }
0x66: {  	_ =	shalt  }
0x67: {  	_ =	shalt  }
0x68: {  	_ =	shalt  }
0x69: {  	_ =	shalt  }
0x6a: {  	_ =	shalt  }
0x6b: {  	_ =	shalt  }
0x6c: {  	_ =	shalt  }
0x6d: {  	_ =	shalt  }
0x6e: {  	_ =	shalt  }
0x6f: {  	_ =	shalt  }
0x70: {  	_ =	shalt  }
0x71: {  	_ =	shalt  }
0x72: {  	_ =	shalt  }
0x73: {  	_ =	shalt  }
0x74: {  	_ =	shalt  }
0x75: {  	_ =	shalt  }
0x76: {  	_ =	shalt  }
0x77: {  	_ =	shalt  }
0x78: {  	_ =	shalt  }
0x79: {  	_ =	shalt  }
0x7a: {  	_ =	shalt  }
0x7b: {  	_ =	shalt  }
0x7c: {  	_ =	shalt  }
0x7d: {  	_ =	shalt  }
0x7e: {  	_ =	shalt  }
0x7f: {  	_ =	shalt  }
0x80: {  	_ =	shalt  }
0x81: {  	_ =	shalt  }
0x82: {  	_ =	shalt  }
0x83: {  	_ =	shalt  }
0x84: {  	_ =	shalt  }
0x85: {  	_ =	shalt  }
0x86: {  	_ =	shalt  }
0x87: {  	_ =	shalt  }
.Lfunc_end0:
.L_simem_size_0:
called_computation_lowered:
.L_overlay_start_0:
0x88: {  	s2 =	sld [smem:$0x3FD9]  }
0x89: {  	s3 =	sld [smem:$0x3FFE];
	_ =	sdelay $0x1  }
0x8a: {  	s1 =	srdreg.scid  }
0x8b: {  	s0 =	sand.u32 $0x1, s1  }
0x8c: {  	s18 =	sshll.u32 s0, $0xA;
	s2 =	sadd.s32 s3, s2  }
0x8d: {  	s2 =	sadd.s32 s2, s18  }
0x8e: {  	[smem:$0x3FC6] =	sst s2  }
0x8f: {  	_ = 	snop  }
0x90: {  	s2 =	sld [smem:$0x3FC9]  }
0x91: {  	s19 =	sld [smem:$0x3FC8]  }
0x92: {  	s4 =	sld [smem:$0x3FD0];
	(tm) =	ssettm $0x1  }
0x93: {  	s5 =	sld [smem:$0x3FFB];
	_ =	sdelay $0x3  }
0x94: {  	_ =	strace s5  }
0x95: {  	s5 =	sld [smem:$0x3FFC];
	_ =	sdelay $0x3  }
0x96: {  	_ =	strace s5  }
0x97: {  	s5 =	sld [smem:$0x3FFD];
	_ =	sdelay $0x3  }
0x98: {  	_ =	strace s5  }
0x99: {  	_ =	strace $0x8FFFFFFF  }
0x9a: {  	s20 =	sld [smem:$0x3FDB];
	_ =	sdelay $0x1  }
0x9b: {  	s6 =	simm.s32 $_scs_section_size  }
0x9c: {  	s7 =	simm.s32 $_size__tile_overlayer_lowered;
	s8 =	simm.s32 $_tile_overlayer_lowered  }
0x9d: {  	s23 =	simm.s32 $0x1BFF;
	s22 =	sshll.u32 s8, $0x1;
	s5 =	sadd.s32 s6, s20  }
0x9e: {  	s9 =	simm.s32 $0x0;
	s21 =	sshll.u32 s7, $0x1;
	s7 =	sadd.s32 s22, s5  }
0x9f: {  	[timem:s9], [sflag:s23] =	dma.local [hbm:s7], s21  }
0xa0: {  	_ =	swait.ge [sflag:s23], s21  }
0xa1: {  	s6 =	ssub.s32 $0x0, s21;
	[sflag:s23] =	ssyncset.done $0x0  }
0xa2: {  	[sflag:s23] =	ssyncadd.s32 s6;
	_ =	sdelay $0x1  }
0xa3: {  	s24 =	simm.s32 $0x1B8B  }
0xa4: {  	_ =	swait.ge [sflag:s24], $0x1  }
0xa5: {  	[sflag:s24] =	ssyncset.done $0x0  }
0xa6: {  	s25 =	simm.s32 $0x1B8E;
	[sflag:s24] =	ssyncadd.s32 $0xFFFFFFFF  }
0xa7: {  	s26 =	simm.s32 $execute0_lowered;
	[smem:$0x3FD2] =	sst s25  }
0xa8: {  	s6 =	sshll.u32 s26, $0x1;
	_ =	strace $0x80000046;
	[dreg:$0x1] =	wrdreg $0xFFFFFFFF  }
0xa9: {  	s28 =	simm.s32 $_size_execute0_lowered;
	s5 =	sadd.s32 s5, s6;
	[dreg:$0x0] =	wrdreg $0x0  }
0xaa: {  	s6 =	sshll.u32 s28, $0x1;
	[dreg:$0x2] =	wrdreg s5  }
0xab: {  	[dreg:$0x3] =	wrdreg s6  }
0xac: {  	[dreg:$0x4] =	wrdreg $0xC0  }
0xad: {  	_ =	task [dreg:s9], $0x5FFFF  }
0xae: {  	[dreg:$0x1] =	wrdreg $0xFFFFFFFF  }
0xaf: {  	[dreg:$0x0] =	wrdreg $0x60  }
0xb0: {  	[dreg:$0x2] =	wrdreg s2  }
0xb1: {  	[dreg:$0x3] =	wrdreg s19  }
0xb2: {  	[dreg:$0x4] =	wrdreg s4  }
0xb3: {  	[dreg:$0x5] =	wrdreg $0x9  }
0xb4: {  	_ =	task.clear_ibuf [dreg:s9], $0x6FFFF;
	_ =	strace $0x90000046  }
0xb5: {  	s29 =	simm.s32 $0x9;
	_ =	strace $0x80000048  }
0xb6: {  	_ =	swait.ge [sflag:s29], $0x1  }
0xb7: {  	[sflag:s29] =	ssyncadd.s32 $0xFFFFFFFF  }
0xb8: {  	_ =	strace $0x90000048  }
0xb9: {  	_ =	sfence  }
0xba: {  	s30 =	sld [smem:$0x0];
	_ =	sdelay $0x2  }
0xbb: {  	s31 =	sshll.u32 s1, $0xD;
	s1 =	sshrl.u32 s1, $0x2  }
0xbc: {  	s3 =	sand.u32 $0x4000, s31;
	s1 =	sadd.s32 s1, s30  }
0xbd: {  	s0 =	sor.u32 s3, s0;
	s1 =	sshll.u32 s1, $0x11  }
0xbe: {  	s0 =	sor.u32 s1, s0  }
0xbf: {  	s0 =	sadd.s32 $0x8F2B, s0  }
0xc0: {  	[sflag:s0] =	ssyncadd.remote.s32 $0x1  }
0xc1: {  	_ =	sfence.sel $0xFFFF  }
0xc2: {  	[dreg:$0x0] =	wrdreg $0xFFFFFFFF;
	(pc) =	sbr.abs _section_cstart, $3  }
0xc3: {  	[dreg:$0x1] =	wrdreg $0xFFFFFFFF  }
0xc4: {  	_ =	task.clear_ibuf [dreg:s9], $0x2FFFF;
	_ =	strace $0x9FFFFFFF  }
0xc5: {  	(tm) =	ssettm $0x7FFFFFFF  }
tec
execute0_lowered:
.L_overlay_start_1:
0x0: {  	(tag) =	ssettag $0x1  }
0x1: {  	s1 =	rddreg [dreg:$0x0]  }
0x2: {  	s0 =	srdreg.scid;
	s2 =	stileid.u32  }
0x3: {  	s4 =	rddreg [dreg:$0x2];
	s5 =	simm.s32 $0x0;
	s19 =	simm.s32 $0x8400  }
0x4: {  	s20 =	simm.s32 $0x1;
	s21 =	simm.s32 $0xC400;
	s22 =	simm.s32 $0x2  }
0x5: {  	s23 =	simm.s32 $0x10400;
	s24 =	simm.s32 $0x3;
	s25 =	simm.s32 $0x14400  }
0x6: {  	s28 =	simm.s32 $0x5;
	s0 =	sand.u32 $0x1, s0;
	s2 =	sshll.u32 s2, $0x1  }
0x7: {  	s29 =	simm.s32 $0x6;
	s30 =	simm.s32 $0x0;
	s2 =	sor.u32 s0, s2  }
0x8: {  	[smem:$0x7FF] =	sst s5;
	s0 =	ssub.s32 $0x2, s0;
	s3 =	smul.u32 $0x30C000, s2  }
0x9: {  	_ =	strace $0x80000047;
	s7 =	smul.u32 $0x61800, s2;
	s9 =	sshrl.u32 s0, $0x1  }
0xa: {  	s6 =	smul.u32 $0xC30, s2;
	s0 =	ssub.s32 s0, s9;
	s8 =	sshrl.u32 s3, $0x3  }
.Ltmp0:
0xb: {  	s7 =	sadd.s32 s1, s7;
	s10 =	sadd.s32 $0xC000, s3;
	(pc) =	sbr.rel .LBB2_1-.Ltmp0, $4  }
0xc: {  	s0 =	smax.u32 s0, $0x1;
	s26 =	sadd.s32 s1, s8;
	[dreg:$0x4] =	wrdreg s7  }
0xd: {  	s11 =	sadd.s32 $0x10, s6;
	[dreg:$0x7] =	wrdreg s0;
	s31 =	sadd.s32 $0x800, s26  }
0xe: {  	s12 =	sadd.s32 $0x10000, s3;
	s2 =	sadd.s32 $0x1000, s26;
	[dreg:$0x5] =	wrdreg s31  }
0xf: {  	v0 =	vimm.f32 $0.0e+00;
	s13 =	sadd.s32 $0x20, s6;
	s14 =	sadd.s32 $0x14000, s3;
	[dreg:$0x6] =	wrdreg s2  }
.LBB2_10:
0x10: {  	s0 =	simm.s32 $0x4  }
0x11: {  	_ =	swait.ge [sflag:s0], $0x4000  }
0x12: {  	[sflag:s0] =	ssyncset.done $0x0  }
0x13: {  	[sflag:s0] =	ssyncadd.s32 $0xFFFFC000  }
0x14: {  	_ =	swait.ge [sflag:s28], $0x4000  }
0x15: {  	[sflag:s28] =	ssyncset.done $0x0  }
0x16: {  	[sflag:s28] =	ssyncadd.s32 $0xFFFFC000  }
0x17: {  	_ =	swait.ge [sflag:s29], $0x4000  }
0x18: {  	s30 =	sadd.s32 $0x1, s30;
	s31 =	rddreg [dreg:$0x7]  }
0x19: {  	p0 =	sne.s32 s30, s31  }
.Ltmp1:
0x1a: {  	_ = 	snop;
	(pc) =	sbr.rel @!p0 .LBB2_11-.Ltmp1, $3  }
0x1b: {  	_ =	sdelay $0x1  }
0x1c: {  	[sflag:s29] =	ssyncset.done $0x0  }
0x1d: {  	[sflag:s29] =	ssyncadd.s32 $0xFFFFC000  }
.LBB2_1:
0x1e: {  	s0 =	rddreg [dreg:$0x1];
	s15 =	simm.s32 $0x7  }
0x1f: {  	[tilespmem:s5], [sflag:$0x7] =	stream.linear.gather [hbm4b:s0+s5], $0x400, $0x38;
	[tilespmem:$0x18400] =	vst v63  }
0x20: {  	_ =	swait.ge [sflag:s15], $0x400  }
0x21: {  	[sflag:s15] =	ssyncset.done $0x0  }
0x22: {  	s2 =	simm.s32 $0x400;
	s16 =	rddreg [dreg:$0x4];
	[sflag:s15] =	ssyncadd.s32 $0xFFFFFC00  }
0x23: {  	[tilespmem:s2], [sflag:$0x1] =	stream.linear.gather [hbm4b:s16+s5], $0x4000, $0x38;
	[tilespmem:$0x18400] =	vst v63  }
0x24: {  	s18 =	simm.s32 $0x4400;
	s17 =	rddreg [dreg:$0x5]  }
0x25: {  	[tilespmem:s18], [sflag:$0x2] =	stream.linear.gather [hbm4b:s17+s5], $0x4000, $0x38;
	[tilespmem:$0x18400] =	vst v63  }
0x26: {  	s31 =	simm.s32 $0x0;
	s26 =	rddreg [dreg:$0x6]  }
0x27: {  	[tilespmem:s19], [sflag:$0x3] =	stream.linear.gather [hbm4b:s26+s5], $0x4000, $0x38;
	[tilespmem:$0x18400] =	vst v63  }
.LBB2_2:
0x28: {  	_ =	swait.ge [sflag:s20], $0x4000;
	s2 =	smul.u32 $0x30, s31  }
0x29: {  	p0 =	seq.s32 s31, $0x0;
	s17 =	simm.s32 $0x0;
	[sflag:s20] =	ssyncset.done $0x0  }
0x2a: {  	s3 =	simm.s32 @!p0 $0x4;
	[sflag:s20] =	ssyncadd.s32 $0xFFFFC000;
	s0 =	sadd.s32 s6, s2  }
0x2b: {  	s16 =	sand.u32 $0x1C00, s17;
	_ =	swait.ge @!p0 [sflag:s3], $0x4000;
	s18 =	sor.u32 $0x1, s0  }
0x2c: {  	s7 =	sor.u32 $0x2, s0;
	s8 =	sor.u32 $0x3, s0;
	[sflag:s3] =	ssyncset.done @!p0 $0x0  }
0x2d: {  	s9 =	sor.u32 $0x4, s0;
	s26 =	sor.u32 $0x5, s0;
	v7 =	vmov s0;
	[sflag:s3] =	ssyncadd.s32 @!p0 $0xFFFFC000  }
0x2e: {  	s15 =	sor.u32 $0x6, s0;
	v2 =	vmov s18;
	v3 =	vmov s7;
	v5 =	vmov s9;
	s7 =	sor.u32 $0x7, s0;
	s9 =	sand.u32 $0x70, s17;
	v17 =	vld [tilespmem:s17+$0x0]  }
0x2f: {  	v4 =	vmov s8;
	v6 =	vmov s26;
	v8 =	vmov s15;
	s18 =	sor.u32 $0x8, s0;
	s26 =	sor.u32 $0x9, s0;
	s8 =	sor.u32 $0xA, s0  }
0x30: {  	s15 =	sor.u32 $0xC, s0;
	s3 =	sor.u32 s9, s16;
	v9 =	vmov s7;
	v10 =	vmov s18;
	v11 =	vmov s26;
	s9 =	sor.u32 $0xB, s0  }
0x31: {  	v12 =	vmov s8;
	v14 =	vmov s15;
	s16 =	sor.u32 $0xD, s0;
	s18 =	sor.u32 $0xE, s0;
	s26 =	sor.u32 $0xF, s0;
	v13 =	vmov s9;
	v19 =	vld [tilespmem:s3+$0x580]  }
0x32: {  	v15 =	vmov s16;
	v16 =	vmov s18;
	v1 =	vmov s26;
	v20 =	vld [tilespmem:s3+$0x500]  }
0x33: {  	v21 =	vld [tilespmem:s3+$0x700];
	vm1 =	veq.s32 v17, v7;
	vm2 =	veq.s32 v17, v6;
	vm0 =	veq.s32 v17, v9  }
0x34: {  	v22 =	vld [tilespmem:s3+$0x600];
	vm3 =	veq.s32 v17, v4;
	vm4 =	veq.s32 v17, v5;
	vm5 =	veq.s32 v17, v8  }
0x35: {  	v24 =	vld [tilespmem:s3+$0x680];
	vm6 =	veq.s32 v17, v2;
	vm7 =	veq.s32 v17, v3;
	v23 =	vsel vm3, $0x3ECCCCCD, v0  }
0x36: {  	v18 =	vld [tilespmem:s3+$0x480];
	vm8 =	veq.s32 v17, v10;
	v27 =	vsel vm7, $0x3ECCCCCD, v0;
	v19 =	vsub.f32 v19, v23  }
0x37: {  	v25 =	vld [tilespmem:s3+$0x400];
	v26 =	vsel vm6, $0x3ECCCCCD, v0;
	v60 =	vsel vm5, $0x3ECCCCCD, v0;
	v20 =	vsub.f32 v20, v27  }
0x38: {  	v28 =	vsel vm4, $0x3ECCCCCD, v0;
	v21 =	vsub.f32 v21, v60;
	v19 =	vmul.f32 $6.400000000e+01, v19  }
0x39: {  	v59 =	vsel vm2, $0x3ECCCCCD, v0;
	v22 =	vsub.f32 v22, v28;
	v20 =	vmul.f32 $6.400000000e+01, v20  }
0x3a: {  	v61 =	vsel vm1, $0x3ECCCCCD, v0;
	v21 =	vmul.f32 $6.400000000e+01, v21;
	[tilespmem:s3+$0xC580] =	vst v19;
	v19 =	vsub.f32 v24, v59  }
0x3b: {  	vm6 =	veq.s32 v17, v11;
	vm7 =	veq.s32 v17, v12;
	[tilespmem:s3+$0xC500] =	vst v20;
	v20 =	vmul.f32 $6.400000000e+01, v22  }
0x3c: {  	v18 =	vsub.f32 v18, v26;
	v62 =	vsub.f32 v25, v61;
	[tilespmem:s3+$0xC700] =	vst v21;
	v63 =	vmul.f32 $6.400000000e+01, v19  }
0x3d: {  	vm4 =	veq.s32 v17, v13;
	vm3 =	veq.s32 v17, v14;
	vm2 =	veq.s32 v17, v15;
	[tilespmem:s3+$0xC600] =	vst v20  }
0x3e: {  	s8 =	simm.s32 $0x0;
	s7 =	simm.s32 $0x0;
	s18 =	simm.s32 $0x10;
	vm1 =	veq.s32 v17, v16;
	v18 =	vmul.f32 $6.400000000e+01, v18;
	v19 =	vmul.f32 $6.400000000e+01, v62;
	[tilespmem:s3+$0xC680] =	vst v63  }
.LBB2_3:
0x3f: {  	s9 =	sor.u32 s8, s17  }
0x40: {  	[tilespmem:s3+$0xC400] =	vst v19;
	vm5 =	veq.s32 v17, v1;
	s17 =	sadd.s32 $0x80, s17;
	s7 =	sadd.s32 $0x10, s7;
	s8 =	smov.u32 s18  }
0x41: {  	p1 =	sne.s32 s18, $0x3F0;
	s18 =	sadd.s32 $0x10, s18;
	[tilespmem:s3+$0xC480] =	vst v18;
	s15 =	sor.u32 $0x380, s9  }
0x42: {  	v17 =	vld [tilespmem:s15+$0x400];
	_ =	sdelay $0x3  }
0x43: {  	v18 =	vsel vm0, $0x3ECCCCCD, v0  }
0x44: {  	v17 =	vsub.f32 v17, v18;
	_ =	sdelay $0x1  }
0x45: {  	v17 =	vmul.f32 $6.400000000e+01, v17;
	_ =	sdelay $0x1  }
0x46: {  	[tilespmem:s15+$0xC400] =	vst v17  }
0x47: {  	v17 =	vld [tilespmem:s3+$0x2400]  }
0x48: {  	v18 =	vld [tilespmem:s3+$0x2480]  }
0x49: {  	s16 =	sand.u32 $0x1C00, s17;
	s15 =	sand.u32 $0x70, s8;
	v19 =	vld [tilespmem:s3+$0x2500]  }
0x4a: {  	s15 =	sor.u32 s15, s16;
	v20 =	vld [tilespmem:s3+$0x2580]  }
0x4b: {  	v21 =	vsel vm8, $0x3ECCCCCD, v0;
	v22 =	vld [tilespmem:s3+$0x2600]  }
0x4c: {  	v17 =	vsub.f32 v17, v21;
	v21 =	vsel vm6, $0x3ECCCCCD, v0;
	v23 =	vld [tilespmem:s3+$0x2680]  }
0x4d: {  	v18 =	vsub.f32 v18, v21;
	v21 =	vsel vm7, $0x3ECCCCCD, v0;
	v24 =	vld [tilespmem:s3+$0x2700]  }
0x4e: {  	v17 =	vmul.f32 $6.400000000e+01, v17;
	v19 =	vsub.f32 v19, v21;
	v21 =	vsel vm4, $0x3ECCCCCD, v0  }
0x4f: {  	v18 =	vmul.f32 $6.400000000e+01, v18;
	v20 =	vsub.f32 v20, v21;
	v21 =	vsel vm3, $0x3ECCCCCD, v0  }
0x50: {  	[tilespmem:s3+$0xE400] =	vst v17;
	v17 =	vmul.f32 $6.400000000e+01, v19;
	v19 =	vsub.f32 v22, v21;
	v21 =	vsel vm2, $0x3ECCCCCD, v0  }
0x51: {  	[tilespmem:s3+$0xE480] =	vst v18;
	v18 =	vmul.f32 $6.400000000e+01, v20;
	v20 =	vsub.f32 v23, v21;
	v21 =	vsel vm1, $0x3ECCCCCD, v0  }
0x52: {  	[tilespmem:s3+$0xE500] =	vst v17;
	v17 =	vmul.f32 $6.400000000e+01, v19;
	v19 =	vsub.f32 v24, v21  }
0x53: {  	[tilespmem:s3+$0xE580] =	vst v18;
	v18 =	vmul.f32 $6.400000000e+01, v20  }
0x54: {  	[tilespmem:s3+$0xE600] =	vst v17;
	v17 =	vmul.f32 $6.400000000e+01, v19  }
0x55: {  	[tilespmem:s3+$0xE680] =	vst v18  }
0x56: {  	s9 =	sor.u32 $0x2380, s9;
	[tilespmem:s3+$0xE700] =	vst v17;
	s3 =	smov.u32 s15  }
0x57: {  	v17 =	vld [tilespmem:s9+$0x400];
	_ =	sdelay $0x3  }
0x58: {  	v18 =	vsel vm5, $0x3ECCCCCD, v0  }
0x59: {  	v17 =	vsub.f32 v17, v18;
	_ =	sdelay $0x1  }
0x5a: {  	v17 =	vmul.f32 $6.400000000e+01, v17;
	_ =	sdelay $0x1  }
0x5b: {  	[tilespmem:s9+$0xC400] =	vst v17  }
0x5c: {  	v17 =	vld [tilespmem:s7+$0x0]  }
0x5d: {  	v18 =	vld [tilespmem:s3+$0x480]  }
0x5e: {  	v19 =	vld [tilespmem:s3+$0x400]  }
0x5f: {  	v20 =	vld [tilespmem:s3+$0x580]  }
0x60: {  	v21 =	vld [tilespmem:s3+$0x500]  }
0x61: {  	vm1 =	veq.s32 v17, v7;
	vm2 =	veq.s32 v17, v6;
	v22 =	vld [tilespmem:s3+$0x700];
	vm0 =	veq.s32 v17, v9  }
0x62: {  	vm3 =	veq.s32 v17, v4;
	vm4 =	veq.s32 v17, v5;
	vm5 =	veq.s32 v17, v8;
	v23 =	vld [tilespmem:s3+$0x600]  }
0x63: {  	vm6 =	veq.s32 v17, v2;
	vm7 =	veq.s32 v17, v3;
	v24 =	vsel vm3, $0x3ECCCCCD, v0;
	v25 =	vld [tilespmem:s3+$0x680]  }
0x64: {  	v26 =	vsel vm6, $0x3ECCCCCD, v0;
	v27 =	vsel vm7, $0x3ECCCCCD, v0;
	v20 =	vsub.f32 v20, v24  }
0x65: {  	v24 =	vsel vm2, $0x3ECCCCCD, v0;
	v21 =	vsub.f32 v21, v27;
	v27 =	vsel vm5, $0x3ECCCCCD, v0  }
0x66: {  	v28 =	vsel vm4, $0x3ECCCCCD, v0;
	v20 =	vmul.f32 $6.400000000e+01, v20;
	v22 =	vsub.f32 v22, v27  }
0x67: {  	v18 =	vsub.f32 v18, v26;
	v21 =	vmul.f32 $6.400000000e+01, v21;
	v23 =	vsub.f32 v23, v28  }
.Ltmp2:
0x68: {  	v26 =	vsel vm1, $0x3ECCCCCD, v0;
	[tilespmem:s3+$0xC580] =	vst v20;
	v20 =	vsub.f32 v25, v24;
	v22 =	vmul.f32 $6.400000000e+01, v22;
	(pc) =	sbr.rel @p1 .LBB2_3-.Ltmp2, $4  }
0x69: {  	v19 =	vsub.f32 v19, v26;
	v18 =	vmul.f32 $6.400000000e+01, v18;
	[tilespmem:s3+$0xC500] =	vst v21;
	v21 =	vmul.f32 $6.400000000e+01, v23  }
0x6a: {  	vm8 =	veq.s32 v17, v10;
	vm6 =	veq.s32 v17, v11;
	v20 =	vmul.f32 $6.400000000e+01, v20;
	[tilespmem:s3+$0xC700] =	vst v22  }
0x6b: {  	vm7 =	veq.s32 v17, v12;
	vm4 =	veq.s32 v17, v13;
	v19 =	vmul.f32 $6.400000000e+01, v19;
	[tilespmem:s3+$0xC600] =	vst v21  }
0x6c: {  	vm3 =	veq.s32 v17, v14;
	vm1 =	veq.s32 v17, v16;
	vm2 =	veq.s32 v17, v15;
	[tilespmem:s3+$0xC680] =	vst v20  }
0x6d: {  	[tilespmem:s3+$0xC400] =	vst v19;
	s7 =	sor.u32 s8, s17  }
0x6e: {  	[tilespmem:s3+$0xC480] =	vst v18;
	s8 =	sor.u32 $0x380, s7  }
0x6f: {  	v2 =	vld [tilespmem:s8+$0x400];
	_ =	sdelay $0x3  }
0x70: {  	v3 =	vsel vm0, $0x3ECCCCCD, v0  }
0x71: {  	v2 =	vsub.f32 v2, v3;
	_ =	sdelay $0x1  }
0x72: {  	v2 =	vmul.f32 $6.400000000e+01, v2;
	_ =	sdelay $0x1  }
0x73: {  	[tilespmem:s8+$0xC400] =	vst v2  }
0x74: {  	v2 =	vld [tilespmem:s3+$0x2400]  }
0x75: {  	v3 =	vld [tilespmem:s3+$0x2480]  }
0x76: {  	v4 =	vld [tilespmem:s3+$0x2500]  }
0x77: {  	v5 =	vld [tilespmem:s3+$0x2580]  }
0x78: {  	v6 =	vsel vm8, $0x3ECCCCCD, v0;
	v7 =	vld [tilespmem:s3+$0x2600]  }
0x79: {  	v8 =	vld [tilespmem:s3+$0x2680];
	v2 =	vsub.f32 v2, v6;
	v6 =	vsel vm6, $0x3ECCCCCD, v0  }
0x7a: {  	v9 =	vld [tilespmem:s3+$0x2700];
	v3 =	vsub.f32 v3, v6;
	v6 =	vsel vm7, $0x3ECCCCCD, v0  }
0x7b: {  	v2 =	vmul.f32 $6.400000000e+01, v2;
	v4 =	vsub.f32 v4, v6;
	v6 =	vsel vm4, $0x3ECCCCCD, v0  }
0x7c: {  	v3 =	vmul.f32 $6.400000000e+01, v3;
	v5 =	vsub.f32 v5, v6;
	v6 =	vsel vm3, $0x3ECCCCCD, v0  }
0x7d: {  	[tilespmem:s3+$0xE400] =	vst v2;
	v2 =	vmul.f32 $6.400000000e+01, v4;
	v4 =	vsub.f32 v7, v6;
	v6 =	vsel vm2, $0x3ECCCCCD, v0  }
0x7e: {  	[tilespmem:s3+$0xE480] =	vst v3;
	v3 =	vmul.f32 $6.400000000e+01, v5;
	v5 =	vsub.f32 v8, v6;
	v6 =	vsel vm1, $0x3ECCCCCD, v0  }
0x7f: {  	[tilespmem:s3+$0xE500] =	vst v2;
	v2 =	vmul.f32 $6.400000000e+01, v4;
	v4 =	vsub.f32 v9, v6  }
0x80: {  	[tilespmem:s3+$0xE580] =	vst v3;
	v3 =	vmul.f32 $6.400000000e+01, v5  }
0x81: {  	[tilespmem:s3+$0xE600] =	vst v2;
	v2 =	vmul.f32 $6.400000000e+01, v4  }
0x82: {  	[tilespmem:s3+$0xE680] =	vst v3  }
0x83: {  	s16 =	sor.u32 $0x2380, s7;
	[tilespmem:s3+$0xE700] =	vst v2  }
0x84: {  	v2 =	vld [tilespmem:s16+$0x400];
	_ =	sdelay $0x2  }
0x85: {  	vm0 =	veq.s32 v17, v1  }
0x86: {  	v1 =	vsel vm0, $0x3ECCCCCD, v0  }
0x87: {  	s0 =	sshll.u32 s0, $0x7;
	p1 =	seq.s32 s31, $0x40;
	v1 =	vsub.f32 v2, v1  }
0x88: {  	s17 =	sadd.s32 s4, s0;
	s0 =	smul.u32 @!p1 $0xC000, s31  }
0x89: {  	v1 =	vmul.f32 $6.400000000e+01, v1  }
0x8a: {  	s3 =	sadd.s32 @!p1 s0, s10  }
0x8b: {  	s3 =	sshrl.u32 @!p1 s3, $0x3;
	[tilespmem:s16+$0xC400] =	vst v1  }
0x8c: {  	[hbm4b:s17+s5] =	stream.linear.scatter [tilespmem:s21], [sflag:$0x4], $0x4000, $0x38;
	[tilespmem:$0x18400] =	vst v63  }
0x8d: {  	s7 =	simm.s32 @!p1 $0x0;
	s8 =	simm.s32 @!p1 $0x400;
	s3 =	sadd.s32 @!p1 s1, s3  }
0x8e: {  	[tilespmem:s8], [sflag:$0x1] =	stream.linear.gather @!p1 [hbm4b:s3+s7], $0x4000, $0x38;
	[tilespmem:$0x18400] =	vst v63  }
0x8f: {  	_ =	swait.ge [sflag:s22], $0x4000  }
0x90: {  	s3 =	sadd.s32 s2, s11;
	[sflag:s22] =	ssyncset.done $0x0  }
0x91: {  	s7 =	simm.s32 @!p0 $0x5;
	s18 =	sor.u32 $0x1, s3;
	[sflag:s22] =	ssyncadd.s32 $0xFFFFC000  }
0x92: {  	s26 =	sor.u32 $0x2, s3;
	s9 =	sor.u32 $0x3, s3;
	_ =	swait.ge @!p0 [sflag:s7], $0x4000  }
0x93: {  	s15 =	sor.u32 $0x4, s3;
	s16 =	sor.u32 $0x6, s3;
	[sflag:s7] =	ssyncset.done @!p0 $0x0  }
0x94: {  	s8 =	sor.u32 $0x7, s3;
	v2 =	vmov s18;
	s18 =	simm.s32 $0x0;
	[sflag:s7] =	ssyncadd.s32 @!p0 $0xFFFFC000  }
0x95: {  	v7 =	vmov s3;
	v3 =	vmov s26;
	v8 =	vmov s16;
	s16 =	sor.u32 $0x8, s3;
	s17 =	sand.u32 $0x70, s18;
	s26 =	sand.u32 $0x1C00, s18;
	v17 =	vld [tilespmem:s18+$0x0]  }
0x96: {  	v4 =	vmov s9;
	v5 =	vmov s15;
	v9 =	vmov s8;
	s15 =	sor.u32 $0xA, s3;
	s17 =	sor.u32 s17, s26;
	s26 =	sor.u32 $0x9, s3  }
0x97: {  	v10 =	vmov s16;
	s16 =	sor.u32 $0xB, s3;
	v12 =	vmov s15;
	s15 =	sor.u32 $0xD, s3;
	v11 =	vmov s26;
	s26 =	sor.u32 $0xC, s3  }
0x98: {  	v13 =	vmov s16;
	s16 =	sor.u32 $0xE, s3;
	v15 =	vmov s15;
	s7 =	sor.u32 $0x5, s3;
	v14 =	vmov s26;
	s26 =	sor.u32 $0xF, s3;
	v19 =	vld [tilespmem:s17+$0x4580]  }
0x99: {  	v16 =	vmov s16;
	v6 =	vmov s7;
	v1 =	vmov s26;
	v20 =	vld [tilespmem:s17+$0x4500]  }
0x9a: {  	v21 =	vld [tilespmem:s17+$0x4700];
	vm1 =	veq.s32 v17, v7;
	vm2 =	veq.s32 v17, v6;
	vm0 =	veq.s32 v17, v9  }
0x9b: {  	v22 =	vld [tilespmem:s17+$0x4600];
	vm3 =	veq.s32 v17, v4;
	vm4 =	veq.s32 v17, v5;
	vm5 =	veq.s32 v17, v8  }
0x9c: {  	v24 =	vld [tilespmem:s17+$0x4680];
	vm6 =	veq.s32 v17, v2;
	vm7 =	veq.s32 v17, v3;
	v23 =	vsel vm3, $0x3ECCCCCD, v0  }
0x9d: {  	v18 =	vld [tilespmem:s17+$0x4480];
	vm8 =	veq.s32 v17, v10;
	v27 =	vsel vm7, $0x3ECCCCCD, v0;
	v19 =	vsub.f32 v19, v23  }
0x9e: {  	v25 =	vld [tilespmem:s17+$0x4400];
	v26 =	vsel vm6, $0x3ECCCCCD, v0;
	v60 =	vsel vm5, $0x3ECCCCCD, v0;
	v20 =	vsub.f32 v20, v27  }
0x9f: {  	v28 =	vsel vm4, $0x3ECCCCCD, v0;
	v21 =	vsub.f32 v21, v60;
	v19 =	vmul.f32 $6.400000000e+01, v19  }
0xa0: {  	v59 =	vsel vm2, $0x3ECCCCCD, v0;
	v22 =	vsub.f32 v22, v28;
	v20 =	vmul.f32 $6.400000000e+01, v20  }
0xa1: {  	v61 =	vsel vm1, $0x3ECCCCCD, v0;
	v21 =	vmul.f32 $6.400000000e+01, v21;
	[tilespmem:s17+$0x10580] =	vst v19;
	v19 =	vsub.f32 v24, v59  }
0xa2: {  	vm6 =	veq.s32 v17, v11;
	vm7 =	veq.s32 v17, v12;
	[tilespmem:s17+$0x10500] =	vst v20;
	v20 =	vmul.f32 $6.400000000e+01, v22  }
0xa3: {  	v18 =	vsub.f32 v18, v26;
	v62 =	vsub.f32 v25, v61;
	[tilespmem:s17+$0x10700] =	vst v21;
	v63 =	vmul.f32 $6.400000000e+01, v19  }
0xa4: {  	vm4 =	veq.s32 v17, v13;
	vm3 =	veq.s32 v17, v14;
	vm2 =	veq.s32 v17, v15;
	[tilespmem:s17+$0x10600] =	vst v20  }
0xa5: {  	s9 =	simm.s32 $0x0;
	s8 =	simm.s32 $0x0;
	s7 =	simm.s32 $0x10;
	vm1 =	veq.s32 v17, v16;
	v18 =	vmul.f32 $6.400000000e+01, v18;
	v19 =	vmul.f32 $6.400000000e+01, v62;
	[tilespmem:s17+$0x10680] =	vst v63  }
.LBB2_5:
0xa6: {  	s15 =	sor.u32 s9, s18  }
0xa7: {  	[tilespmem:s17+$0x10400] =	vst v19;
	vm5 =	veq.s32 v17, v1;
	s18 =	sadd.s32 $0x80, s18;
	s8 =	sadd.s32 $0x10, s8;
	s9 =	smov.u32 s7  }
0xa8: {  	p2 =	sne.s32 s7, $0x3F0;
	s7 =	sadd.s32 $0x10, s7;
	[tilespmem:s17+$0x10480] =	vst v18;
	s16 =	sor.u32 $0x380, s15  }
0xa9: {  	v17 =	vld [tilespmem:s16+$0x4400];
	_ =	sdelay $0x3  }
0xaa: {  	v18 =	vsel vm0, $0x3ECCCCCD, v0  }
0xab: {  	v17 =	vsub.f32 v17, v18;
	_ =	sdelay $0x1  }
0xac: {  	v17 =	vmul.f32 $6.400000000e+01, v17;
	_ =	sdelay $0x1  }
0xad: {  	[tilespmem:s16+$0x10400] =	vst v17  }
0xae: {  	v17 =	vld [tilespmem:s17+$0x6400]  }
0xaf: {  	v18 =	vld [tilespmem:s17+$0x6480]  }
0xb0: {  	s26 =	sand.u32 $0x1C00, s18;
	s16 =	sand.u32 $0x70, s9;
	v19 =	vld [tilespmem:s17+$0x6500]  }
0xb1: {  	s16 =	sor.u32 s16, s26;
	v20 =	vld [tilespmem:s17+$0x6580]  }
0xb2: {  	v21 =	vsel vm8, $0x3ECCCCCD, v0;
	v22 =	vld [tilespmem:s17+$0x6600]  }
0xb3: {  	v17 =	vsub.f32 v17, v21;
	v21 =	vsel vm6, $0x3ECCCCCD, v0;
	v23 =	vld [tilespmem:s17+$0x6680]  }
0xb4: {  	v18 =	vsub.f32 v18, v21;
	v21 =	vsel vm7, $0x3ECCCCCD, v0;
	v24 =	vld [tilespmem:s17+$0x6700]  }
0xb5: {  	v17 =	vmul.f32 $6.400000000e+01, v17;
	v19 =	vsub.f32 v19, v21;
	v21 =	vsel vm4, $0x3ECCCCCD, v0  }
0xb6: {  	v18 =	vmul.f32 $6.400000000e+01, v18;
	v20 =	vsub.f32 v20, v21;
	v21 =	vsel vm3, $0x3ECCCCCD, v0  }
0xb7: {  	[tilespmem:s17+$0x12400] =	vst v17;
	v17 =	vmul.f32 $6.400000000e+01, v19;
	v19 =	vsub.f32 v22, v21;
	v21 =	vsel vm2, $0x3ECCCCCD, v0  }
0xb8: {  	[tilespmem:s17+$0x12480] =	vst v18;
	v18 =	vmul.f32 $6.400000000e+01, v20;
	v20 =	vsub.f32 v23, v21;
	v21 =	vsel vm1, $0x3ECCCCCD, v0  }
0xb9: {  	[tilespmem:s17+$0x12500] =	vst v17;
	v17 =	vmul.f32 $6.400000000e+01, v19;
	v19 =	vsub.f32 v24, v21  }
0xba: {  	[tilespmem:s17+$0x12580] =	vst v18;
	v18 =	vmul.f32 $6.400000000e+01, v20  }
0xbb: {  	[tilespmem:s17+$0x12600] =	vst v17;
	v17 =	vmul.f32 $6.400000000e+01, v19  }
0xbc: {  	[tilespmem:s17+$0x12680] =	vst v18  }
0xbd: {  	s15 =	sor.u32 $0x2380, s15;
	[tilespmem:s17+$0x12700] =	vst v17;
	s17 =	smov.u32 s16  }
0xbe: {  	v17 =	vld [tilespmem:s15+$0x4400];
	_ =	sdelay $0x3  }
0xbf: {  	v18 =	vsel vm5, $0x3ECCCCCD, v0  }
0xc0: {  	v17 =	vsub.f32 v17, v18;
	_ =	sdelay $0x1  }
0xc1: {  	v17 =	vmul.f32 $6.400000000e+01, v17;
	_ =	sdelay $0x1  }
0xc2: {  	[tilespmem:s15+$0x10400] =	vst v17  }
0xc3: {  	v17 =	vld [tilespmem:s8+$0x0]  }
0xc4: {  	v18 =	vld [tilespmem:s17+$0x4480]  }
0xc5: {  	v19 =	vld [tilespmem:s17+$0x4400]  }
0xc6: {  	v20 =	vld [tilespmem:s17+$0x4580]  }
0xc7: {  	v21 =	vld [tilespmem:s17+$0x4500]  }
0xc8: {  	vm1 =	veq.s32 v17, v7;
	vm2 =	veq.s32 v17, v6;
	v22 =	vld [tilespmem:s17+$0x4700];
	vm0 =	veq.s32 v17, v9  }
0xc9: {  	vm3 =	veq.s32 v17, v4;
	vm4 =	veq.s32 v17, v5;
	vm5 =	veq.s32 v17, v8;
	v23 =	vld [tilespmem:s17+$0x4600]  }
0xca: {  	vm6 =	veq.s32 v17, v2;
	vm7 =	veq.s32 v17, v3;
	v24 =	vsel vm3, $0x3ECCCCCD, v0;
	v25 =	vld [tilespmem:s17+$0x4680]  }
0xcb: {  	v26 =	vsel vm6, $0x3ECCCCCD, v0;
	v27 =	vsel vm7, $0x3ECCCCCD, v0;
	v20 =	vsub.f32 v20, v24  }
0xcc: {  	v24 =	vsel vm2, $0x3ECCCCCD, v0;
	v21 =	vsub.f32 v21, v27;
	v27 =	vsel vm5, $0x3ECCCCCD, v0  }
0xcd: {  	v28 =	vsel vm4, $0x3ECCCCCD, v0;
	v20 =	vmul.f32 $6.400000000e+01, v20;
	v22 =	vsub.f32 v22, v27  }
0xce: {  	v18 =	vsub.f32 v18, v26;
	v21 =	vmul.f32 $6.400000000e+01, v21;
	v23 =	vsub.f32 v23, v28  }
.Ltmp3:
0xcf: {  	v26 =	vsel vm1, $0x3ECCCCCD, v0;
	[tilespmem:s17+$0x10580] =	vst v20;
	v20 =	vsub.f32 v25, v24;
	v22 =	vmul.f32 $6.400000000e+01, v22;
	(pc) =	sbr.rel @p2 .LBB2_5-.Ltmp3, $4  }
0xd0: {  	v19 =	vsub.f32 v19, v26;
	v18 =	vmul.f32 $6.400000000e+01, v18;
	[tilespmem:s17+$0x10500] =	vst v21;
	v21 =	vmul.f32 $6.400000000e+01, v23  }
0xd1: {  	vm8 =	veq.s32 v17, v10;
	vm6 =	veq.s32 v17, v11;
	v20 =	vmul.f32 $6.400000000e+01, v20;
	[tilespmem:s17+$0x10700] =	vst v22  }
0xd2: {  	vm7 =	veq.s32 v17, v12;
	vm4 =	veq.s32 v17, v13;
	v19 =	vmul.f32 $6.400000000e+01, v19;
	[tilespmem:s17+$0x10600] =	vst v21  }
0xd3: {  	vm3 =	veq.s32 v17, v14;
	vm1 =	veq.s32 v17, v16;
	vm2 =	veq.s32 v17, v15;
	[tilespmem:s17+$0x10680] =	vst v20  }
0xd4: {  	[tilespmem:s17+$0x10400] =	vst v19;
	s7 =	sor.u32 s9, s18  }
0xd5: {  	[tilespmem:s17+$0x10480] =	vst v18;
	s8 =	sor.u32 $0x380, s7  }
0xd6: {  	v2 =	vld [tilespmem:s8+$0x4400];
	_ =	sdelay $0x3  }
0xd7: {  	v3 =	vsel vm0, $0x3ECCCCCD, v0  }
0xd8: {  	v2 =	vsub.f32 v2, v3;
	_ =	sdelay $0x1  }
0xd9: {  	v2 =	vmul.f32 $6.400000000e+01, v2;
	_ =	sdelay $0x1  }
0xda: {  	[tilespmem:s8+$0x10400] =	vst v2  }
0xdb: {  	v2 =	vld [tilespmem:s17+$0x6400]  }
0xdc: {  	v3 =	vld [tilespmem:s17+$0x6480]  }
0xdd: {  	v4 =	vld [tilespmem:s17+$0x6500]  }
0xde: {  	v5 =	vld [tilespmem:s17+$0x6580]  }
0xdf: {  	v6 =	vsel vm8, $0x3ECCCCCD, v0;
	v7 =	vld [tilespmem:s17+$0x6600]  }
0xe0: {  	v8 =	vld [tilespmem:s17+$0x6680];
	v2 =	vsub.f32 v2, v6;
	v6 =	vsel vm6, $0x3ECCCCCD, v0  }
0xe1: {  	v9 =	vld [tilespmem:s17+$0x6700];
	v3 =	vsub.f32 v3, v6;
	v6 =	vsel vm7, $0x3ECCCCCD, v0  }
0xe2: {  	v2 =	vmul.f32 $6.400000000e+01, v2;
	v4 =	vsub.f32 v4, v6;
	v6 =	vsel vm4, $0x3ECCCCCD, v0  }
0xe3: {  	v3 =	vmul.f32 $6.400000000e+01, v3;
	v5 =	vsub.f32 v5, v6;
	v6 =	vsel vm3, $0x3ECCCCCD, v0  }
0xe4: {  	[tilespmem:s17+$0x12400] =	vst v2;
	v2 =	vmul.f32 $6.400000000e+01, v4;
	v4 =	vsub.f32 v7, v6;
	v6 =	vsel vm2, $0x3ECCCCCD, v0  }
0xe5: {  	[tilespmem:s17+$0x12480] =	vst v3;
	v3 =	vmul.f32 $6.400000000e+01, v5;
	v5 =	vsub.f32 v8, v6;
	v6 =	vsel vm1, $0x3ECCCCCD, v0  }
0xe6: {  	[tilespmem:s17+$0x12500] =	vst v2;
	v2 =	vmul.f32 $6.400000000e+01, v4;
	v4 =	vsub.f32 v9, v6  }
0xe7: {  	[tilespmem:s17+$0x12580] =	vst v3;
	v3 =	vmul.f32 $6.400000000e+01, v5  }
0xe8: {  	[tilespmem:s17+$0x12600] =	vst v2;
	v2 =	vmul.f32 $6.400000000e+01, v4  }
0xe9: {  	[tilespmem:s17+$0x12680] =	vst v3  }
0xea: {  	s7 =	sor.u32 $0x2380, s7;
	[tilespmem:s17+$0x12700] =	vst v2  }
0xeb: {  	v2 =	vld [tilespmem:s7+$0x4400];
	_ =	sdelay $0x2  }
0xec: {  	vm0 =	veq.s32 v17, v1  }
0xed: {  	v1 =	vsel vm0, $0x3ECCCCCD, v0  }
0xee: {  	v1 =	vsub.f32 v2, v1;
	_ =	sdelay $0x1  }
0xef: {  	v1 =	vmul.f32 $6.400000000e+01, v1  }
0xf0: {  	s3 =	sshll.u32 s3, $0x7;
	s0 =	sadd.s32 @!p1 s0, s12  }
0xf1: {  	s3 =	sadd.s32 s4, s3;
	s0 =	sshrl.u32 @!p1 s0, $0x3;
	[tilespmem:s7+$0x10400] =	vst v1  }
0xf2: {  	[hbm4b:s3+s5] =	stream.linear.scatter [tilespmem:s23], [sflag:$0x5], $0x4000, $0x38;
	[tilespmem:$0x18400] =	vst v63  }
0xf3: {  	s0 =	sadd.s32 @!p1 s1, s0;
	s7 =	simm.s32 @!p1 $0x4400;
	s3 =	simm.s32 @!p1 $0x0  }
0xf4: {  	[tilespmem:s7], [sflag:$0x2] =	stream.linear.gather @!p1 [hbm4b:s0+s3], $0x4000, $0x38;
	[tilespmem:$0x18400] =	vst v63  }
0xf5: {  	_ =	swait.ge [sflag:s24], $0x4000  }
0xf6: {  	s0 =	sadd.s32 s2, s13;
	[sflag:s24] =	ssyncset.done $0x0  }
0xf7: {  	s3 =	simm.s32 @!p0 $0x6;
	s2 =	sor.u32 $0x1, s0;
	[sflag:s24] =	ssyncadd.s32 $0xFFFFC000  }
0xf8: {  	s16 =	sor.u32 $0x2, s0;
	s17 =	sor.u32 $0x3, s0;
	_ =	swait.ge @!p0 [sflag:s3], $0x4000  }
0xf9: {  	s18 =	sor.u32 $0x4, s0;
	s26 =	sor.u32 $0x5, s0;
	[sflag:s3] =	ssyncset.done @!p0 $0x0  }
0xfa: {  	s15 =	sor.u32 $0x6, s0;
	v7 =	vmov s0;
	[sflag:s3] =	ssyncadd.s32 @!p0 $0xFFFFC000;
	s3 =	simm.s32 $0x0  }
0xfb: {  	s7 =	sor.u32 $0x7, s0;
	s9 =	sor.u32 $0xA, s0;
	v2 =	vmov s2;
	v3 =	vmov s16;
	v5 =	vmov s18;
	s18 =	sor.u32 $0x8, s0;
	v17 =	vld [tilespmem:s3+$0x0]  }
0xfc: {  	v4 =	vmov s17;
	v6 =	vmov s26;
	v8 =	vmov s15;
	s26 =	sor.u32 $0x9, s0;
	s16 =	sand.u32 $0x70, s3;
	s17 =	sand.u32 $0x1C00, s3  }
0xfd: {  	v9 =	vmov s7;
	s15 =	sor.u32 $0xB, s0;
	v12 =	vmov s9;
	v10 =	vmov s18;
	s18 =	sor.u32 $0xE, s0;
	s2 =	sor.u32 s16, s17  }
0xfe: {  	v11 =	vmov s26;
	v13 =	vmov s15;
	s26 =	sor.u32 $0xF, s0;
	v16 =	vmov s18;
	s16 =	sor.u32 $0xC, s0;
	s17 =	sor.u32 $0xD, s0;
	v19 =	vld [tilespmem:s2+$0x8580]  }
0xff: {  	v1 =	vmov s26;
	v14 =	vmov s16;
	v15 =	vmov s17;
	v20 =	vld [tilespmem:s2+$0x8500]  }
0x100: {  	v21 =	vld [tilespmem:s2+$0x8700];
	vm1 =	veq.s32 v17, v7;
	vm2 =	veq.s32 v17, v6;
	vm0 =	veq.s32 v17, v9  }
0x101: {  	v22 =	vld [tilespmem:s2+$0x8600];
	vm3 =	veq.s32 v17, v4;
	vm4 =	veq.s32 v17, v5;
	vm5 =	veq.s32 v17, v8  }
0x102: {  	v24 =	vld [tilespmem:s2+$0x8680];
	vm6 =	veq.s32 v17, v2;
	vm7 =	veq.s32 v17, v3;
	v23 =	vsel vm3, $0x3ECCCCCD, v0  }
0x103: {  	v18 =	vld [tilespmem:s2+$0x8480];
	vm8 =	veq.s32 v17, v10;
	v27 =	vsel vm7, $0x3ECCCCCD, v0;
	v19 =	vsub.f32 v19, v23  }
0x104: {  	v25 =	vld [tilespmem:s2+$0x8400];
	v26 =	vsel vm6, $0x3ECCCCCD, v0;
	v60 =	vsel vm5, $0x3ECCCCCD, v0;
	v20 =	vsub.f32 v20, v27  }
0x105: {  	v28 =	vsel vm4, $0x3ECCCCCD, v0;
	v21 =	vsub.f32 v21, v60;
	v19 =	vmul.f32 $6.400000000e+01, v19  }
0x106: {  	v59 =	vsel vm2, $0x3ECCCCCD, v0;
	v22 =	vsub.f32 v22, v28;
	v20 =	vmul.f32 $6.400000000e+01, v20  }
0x107: {  	v61 =	vsel vm1, $0x3ECCCCCD, v0;
	v21 =	vmul.f32 $6.400000000e+01, v21;
	[tilespmem:s2+$0x14580] =	vst v19;
	v19 =	vsub.f32 v24, v59  }
0x108: {  	vm6 =	veq.s32 v17, v11;
	vm7 =	veq.s32 v17, v12;
	[tilespmem:s2+$0x14500] =	vst v20;
	v20 =	vmul.f32 $6.400000000e+01, v22  }
0x109: {  	v18 =	vsub.f32 v18, v26;
	v62 =	vsub.f32 v25, v61;
	[tilespmem:s2+$0x14700] =	vst v21;
	v63 =	vmul.f32 $6.400000000e+01, v19  }
0x10a: {  	vm4 =	veq.s32 v17, v13;
	vm3 =	veq.s32 v17, v14;
	vm2 =	veq.s32 v17, v15;
	[tilespmem:s2+$0x14600] =	vst v20  }
0x10b: {  	s8 =	simm.s32 $0x0;
	s7 =	simm.s32 $0x10;
	s9 =	simm.s32 $0x0;
	vm1 =	veq.s32 v17, v16;
	v18 =	vmul.f32 $6.400000000e+01, v18;
	v19 =	vmul.f32 $6.400000000e+01, v62;
	[tilespmem:s2+$0x14680] =	vst v63  }
.LBB2_7:
0x10c: {  	s15 =	sor.u32 s9, s3  }
0x10d: {  	[tilespmem:s2+$0x14400] =	vst v19;
	vm5 =	veq.s32 v17, v1;
	s3 =	sadd.s32 $0x80, s3;
	s8 =	sadd.s32 $0x10, s8;
	s9 =	smov.u32 s7  }
0x10e: {  	p0 =	sne.s32 s7, $0x3F0;
	s7 =	sadd.s32 $0x10, s7;
	[tilespmem:s2+$0x14480] =	vst v18;
	s16 =	sor.u32 $0x380, s15  }
0x10f: {  	v17 =	vld [tilespmem:s16+$0x8400];
	_ =	sdelay $0x3  }
0x110: {  	v18 =	vsel vm0, $0x3ECCCCCD, v0  }
0x111: {  	v17 =	vsub.f32 v17, v18;
	_ =	sdelay $0x1  }
0x112: {  	v17 =	vmul.f32 $6.400000000e+01, v17;
	_ =	sdelay $0x1  }
0x113: {  	[tilespmem:s16+$0x14400] =	vst v17  }
0x114: {  	v17 =	vld [tilespmem:s2+$0xA400]  }
0x115: {  	v18 =	vld [tilespmem:s2+$0xA480]  }
0x116: {  	s17 =	sand.u32 $0x1C00, s3;
	s16 =	sand.u32 $0x70, s9;
	v19 =	vld [tilespmem:s2+$0xA500]  }
0x117: {  	s16 =	sor.u32 s16, s17;
	v20 =	vld [tilespmem:s2+$0xA580]  }
0x118: {  	v21 =	vsel vm8, $0x3ECCCCCD, v0;
	v22 =	vld [tilespmem:s2+$0xA600]  }
0x119: {  	v17 =	vsub.f32 v17, v21;
	v21 =	vsel vm6, $0x3ECCCCCD, v0;
	v23 =	vld [tilespmem:s2+$0xA680]  }
0x11a: {  	v18 =	vsub.f32 v18, v21;
	v21 =	vsel vm7, $0x3ECCCCCD, v0;
	v24 =	vld [tilespmem:s2+$0xA700]  }
0x11b: {  	v17 =	vmul.f32 $6.400000000e+01, v17;
	v19 =	vsub.f32 v19, v21;
	v21 =	vsel vm4, $0x3ECCCCCD, v0  }
0x11c: {  	v18 =	vmul.f32 $6.400000000e+01, v18;
	v20 =	vsub.f32 v20, v21;
	v21 =	vsel vm3, $0x3ECCCCCD, v0  }
0x11d: {  	[tilespmem:s2+$0x16400] =	vst v17;
	v17 =	vmul.f32 $6.400000000e+01, v19;
	v19 =	vsub.f32 v22, v21;
	v21 =	vsel vm2, $0x3ECCCCCD, v0  }
0x11e: {  	[tilespmem:s2+$0x16480] =	vst v18;
	v18 =	vmul.f32 $6.400000000e+01, v20;
	v20 =	vsub.f32 v23, v21;
	v21 =	vsel vm1, $0x3ECCCCCD, v0  }
0x11f: {  	[tilespmem:s2+$0x16500] =	vst v17;
	v17 =	vmul.f32 $6.400000000e+01, v19;
	v19 =	vsub.f32 v24, v21  }
0x120: {  	[tilespmem:s2+$0x16580] =	vst v18;
	v18 =	vmul.f32 $6.400000000e+01, v20  }
0x121: {  	[tilespmem:s2+$0x16600] =	vst v17;
	v17 =	vmul.f32 $6.400000000e+01, v19  }
0x122: {  	[tilespmem:s2+$0x16680] =	vst v18  }
0x123: {  	s15 =	sor.u32 $0x2380, s15;
	[tilespmem:s2+$0x16700] =	vst v17;
	s2 =	smov.u32 s16  }
0x124: {  	v17 =	vld [tilespmem:s15+$0x8400];
	_ =	sdelay $0x3  }
0x125: {  	v18 =	vsel vm5, $0x3ECCCCCD, v0  }
0x126: {  	v17 =	vsub.f32 v17, v18;
	_ =	sdelay $0x1  }
0x127: {  	v17 =	vmul.f32 $6.400000000e+01, v17;
	_ =	sdelay $0x1  }
0x128: {  	[tilespmem:s15+$0x14400] =	vst v17  }
0x129: {  	v17 =	vld [tilespmem:s8+$0x0]  }
0x12a: {  	v18 =	vld [tilespmem:s2+$0x8480]  }
0x12b: {  	v19 =	vld [tilespmem:s2+$0x8400]  }
0x12c: {  	v20 =	vld [tilespmem:s2+$0x8580]  }
0x12d: {  	v21 =	vld [tilespmem:s2+$0x8500]  }
0x12e: {  	vm1 =	veq.s32 v17, v7;
	vm2 =	veq.s32 v17, v6;
	v22 =	vld [tilespmem:s2+$0x8700];
	vm0 =	veq.s32 v17, v9  }
0x12f: {  	vm3 =	veq.s32 v17, v4;
	vm4 =	veq.s32 v17, v5;
	vm5 =	veq.s32 v17, v8;
	v23 =	vld [tilespmem:s2+$0x8600]  }
0x130: {  	vm6 =	veq.s32 v17, v2;
	vm7 =	veq.s32 v17, v3;
	v24 =	vsel vm3, $0x3ECCCCCD, v0;
	v25 =	vld [tilespmem:s2+$0x8680]  }
0x131: {  	v26 =	vsel vm6, $0x3ECCCCCD, v0;
	v27 =	vsel vm7, $0x3ECCCCCD, v0;
	v20 =	vsub.f32 v20, v24  }
0x132: {  	v24 =	vsel vm2, $0x3ECCCCCD, v0;
	v21 =	vsub.f32 v21, v27;
	v27 =	vsel vm5, $0x3ECCCCCD, v0  }
0x133: {  	v28 =	vsel vm4, $0x3ECCCCCD, v0;
	v20 =	vmul.f32 $6.400000000e+01, v20;
	v22 =	vsub.f32 v22, v27  }
0x134: {  	v18 =	vsub.f32 v18, v26;
	v21 =	vmul.f32 $6.400000000e+01, v21;
	v23 =	vsub.f32 v23, v28  }
.Ltmp4:
0x135: {  	v26 =	vsel vm1, $0x3ECCCCCD, v0;
	[tilespmem:s2+$0x14580] =	vst v20;
	v20 =	vsub.f32 v25, v24;
	v22 =	vmul.f32 $6.400000000e+01, v22;
	(pc) =	sbr.rel @p0 .LBB2_7-.Ltmp4, $4  }
0x136: {  	v19 =	vsub.f32 v19, v26;
	v18 =	vmul.f32 $6.400000000e+01, v18;
	[tilespmem:s2+$0x14500] =	vst v21;
	v21 =	vmul.f32 $6.400000000e+01, v23  }
0x137: {  	vm8 =	veq.s32 v17, v10;
	vm6 =	veq.s32 v17, v11;
	v20 =	vmul.f32 $6.400000000e+01, v20;
	[tilespmem:s2+$0x14700] =	vst v22  }
0x138: {  	vm7 =	veq.s32 v17, v12;
	vm4 =	veq.s32 v17, v13;
	v19 =	vmul.f32 $6.400000000e+01, v19;
	[tilespmem:s2+$0x14600] =	vst v21  }
0x139: {  	vm3 =	veq.s32 v17, v14;
	vm1 =	veq.s32 v17, v16;
	vm2 =	veq.s32 v17, v15;
	[tilespmem:s2+$0x14680] =	vst v20  }
0x13a: {  	[tilespmem:s2+$0x14400] =	vst v19;
	s3 =	sor.u32 s9, s3  }
0x13b: {  	[tilespmem:s2+$0x14480] =	vst v18;
	s7 =	sor.u32 $0x380, s3  }
0x13c: {  	v2 =	vld [tilespmem:s7+$0x8400];
	_ =	sdelay $0x3  }
0x13d: {  	v3 =	vsel vm0, $0x3ECCCCCD, v0  }
0x13e: {  	v2 =	vsub.f32 v2, v3;
	_ =	sdelay $0x1  }
0x13f: {  	v2 =	vmul.f32 $6.400000000e+01, v2;
	_ =	sdelay $0x1  }
0x140: {  	[tilespmem:s7+$0x14400] =	vst v2  }
0x141: {  	v2 =	vld [tilespmem:s2+$0xA400]  }
0x142: {  	v3 =	vld [tilespmem:s2+$0xA480]  }
0x143: {  	v4 =	vld [tilespmem:s2+$0xA500]  }
0x144: {  	v5 =	vld [tilespmem:s2+$0xA580]  }
0x145: {  	v6 =	vsel vm8, $0x3ECCCCCD, v0;
	v7 =	vld [tilespmem:s2+$0xA600]  }
0x146: {  	v55 =	vsel vm6, $0x3ECCCCCD, v0;
	v8 =	vld [tilespmem:s2+$0xA680];
	v2 =	vsub.f32 v2, v6  }
0x147: {  	v56 =	vsel vm7, $0x3ECCCCCD, v0;
	v9 =	vld [tilespmem:s2+$0xA700];
	v3 =	vsub.f32 v3, v55  }
0x148: {  	v57 =	vsel vm4, $0x3ECCCCCD, v0;
	v4 =	vsub.f32 v4, v56;
	v2 =	vmul.f32 $6.400000000e+01, v2  }
0x149: {  	v58 =	vsel vm3, $0x3ECCCCCD, v0;
	v5 =	vsub.f32 v5, v57;
	v3 =	vmul.f32 $6.400000000e+01, v3  }
0x14a: {  	v60 =	vsel vm2, $0x3ECCCCCD, v0;
	v59 =	vsub.f32 v7, v58;
	[tilespmem:s2+$0x16400] =	vst v2;
	v2 =	vmul.f32 $6.400000000e+01, v4  }
0x14b: {  	v62 =	vsel vm1, $0x3ECCCCCD, v0;
	v61 =	vsub.f32 v8, v60;
	[tilespmem:s2+$0x16480] =	vst v3;
	v3 =	vmul.f32 $6.400000000e+01, v5  }
0x14c: {  	v63 =	vsub.f32 v9, v62;
	[tilespmem:s2+$0x16500] =	vst v2;
	v2 =	vmul.f32 $6.400000000e+01, v59  }
0x14d: {  	[tilespmem:s2+$0x16580] =	vst v3;
	v3 =	vmul.f32 $6.400000000e+01, v61  }
0x14e: {  	[tilespmem:s2+$0x16600] =	vst v2;
	v2 =	vmul.f32 $6.400000000e+01, v63  }
0x14f: {  	[tilespmem:s2+$0x16680] =	vst v3  }
0x150: {  	s26 =	sor.u32 $0x2380, s3;
	[tilespmem:s2+$0x16700] =	vst v2  }
0x151: {  	v2 =	vld [tilespmem:s26+$0x8400];
	_ =	sdelay $0x2  }
0x152: {  	vm15 =	veq.s32 v17, v1  }
0x153: {  	v1 =	vsel vm15, $0x3ECCCCCD, v0  }
0x154: {  	v1 =	vsub.f32 v2, v1  }
.Ltmp5:
0x155: {  	_ = 	snop;
	(pc) =	sbr.rel @p1 .LBB2_10-.Ltmp5, $4  }
0x156: {  	v1 =	vmul.f32 $6.400000000e+01, v1  }
0x157: {  	s0 =	sshll.u32 s0, $0x7  }
0x158: {  	s0 =	sadd.s32 s4, s0;
	[tilespmem:s26+$0x14400] =	vst v1  }
0x159: {  	[hbm4b:s0+s5] =	stream.linear.scatter [tilespmem:s25], [sflag:$0x6], $0x4000, $0x38;
	[tilespmem:$0x18400] =	vst v63  }
0x15a: {  	s0 =	smul.u32 $0xC000, s31  }
.Ltmp6:
0x15b: {  	_ = 	snop;
	(pc) =	sbr.rel .LBB2_2-.Ltmp6, $4  }
0x15c: {  	s0 =	sadd.s32 s0, s14  }
0x15d: {  	s0 =	sshrl.u32 s0, $0x3  }
0x15e: {  	s31 =	sadd.s32 $0x1, s31;
	s0 =	sadd.s32 s1, s0  }
0x15f: {  	[tilespmem:s19], [sflag:$0x3] =	stream.linear.gather [hbm4b:s0+s5], $0x4000, $0x38;
	[tilespmem:$0x18400] =	vst v63  }
.LBB2_11:
0x160: {  	_ =	sfence.sel $0x180000  }
0x161: {  	[bflag:$0x0] =	sbarrier.arrive $0xFFFF  }
0x162: {  	_ =	strace $0x90000047  }
0x163: {  	s0 =	stileid.u32;
	[bflag:$0x2] =	sbarrier.arrive $0xFFFF  }
0x164: {  	p0 =	sne.s32 s0, $0x0;
	s0 =	rddreg [dreg:$0x3]  }
0x165: {  	s0 =	sadd.s32 @!p0 $0x100000, s0  }
0x166: {  	[sflag:s0] =	ssyncadd.tile.s32 @!p0 $0x1;
	_ =	shalt  }
.Lfunc_end2:
_tile_overlayer_lowered:
.L_overlay_start_2:
0x167: {  	(tag) =	ssettag $0x2  }
0x168: {  	s0 =	rddreg [dreg:$0x0];
	s2 =	stileid.u32  }
0x169: {  	s1 =	rddreg [dreg:$0x1];
	p0 =	sne.s32 s2, $0x0  }
0x16a: {  	s3 =	rddreg [dreg:$0x2];
	[bflag:$0x3] =	sbarrier.arrive $0xFFFF;
	s2 =	simm.s32 @!p0 $0x1C07  }
0x16b: {  	[timem:s3], [sflag:s2] =	dma.local @!p0 [hbm:s0], s1  }
0x16c: {  	s0 =	simm.s32 @!p0 $0x7  }
0x16d: {  	_ =	swait.ge @!p0 [sflag:s0], s1  }
0x16e: {  	s1 =	ssub.s32 @!p0 $0x0, s1;
	[sflag:s0] =	ssyncset.done @!p0 $0x0  }
0x16f: {  	[sflag:s0] =	ssyncadd.s32 @!p0 s1  }
0x170: {  	[bflag:$0x3] =	sbarrier.arrive $0xFFFF  }
0x171: {  	_ =	shalt  }

</sc_bundles>
